<compile_context>
chip_gen: v7x
topology: tpu7x:2x2x1
jax: 0.10.2.dev20260603
libtpu: 0.0.44.dev20260713+nightly
codegen_flags: <defaults>
</compile_context>

<pallas_src>
import functools

import jax
import jax.numpy as jnp
from jax import lax
from jax.experimental import pallas as pl
from jax.experimental.pallas import tpu as pltpu
from jax.experimental.pallas import tpu_sc as plsc

_M = 1024
_K = 16
_MC = 512
_NB = 32
_BIG = 3.0e38


def _tc_body(coords_ref, nodes_ref, feats_ref, s_ref, t_ref, ft_ref):
    x = coords_ref[0]
    nd = nodes_ref[0]
    N = x.shape[1]
    @pl.when(pl.program_id(1) == 0)
    def _():
        ft_ref[0] = jnp.transpose(feats_ref[0], (1, 0))

    s = None
    for c in range(3):
        d = x[c : c + 1, :] - nd[:, c : c + 1]
        s = d * d if s is None else s + d * d
    s_ref[0] = s

    w = N // _NB
    bm = jnp.concatenate(
        [jnp.min(s[:, g * w : (g + 1) * w], axis=1, keepdims=True)
         for g in range(_NB)], axis=1)
    for _ in range(_K - 1):
        m = jnp.min(bm, axis=1, keepdims=True)
        bm = jnp.where(bm <= m, _BIG, bm)
    t = jnp.min(bm, axis=1, keepdims=True)
    t_ref[0] = jnp.broadcast_to(t, (t.shape[0], 16))


def _sc_kernel(total_rows, n, c_feat):
    info = plsc.get_sparse_core_info()
    nw = info.num_cores * info.num_subcores
    rpw = total_rows // nw
    nchunks = n // 16

    mesh = plsc.VectorSubcoreMesh(core_axis_name="c", subcore_axis_name="s")

    @functools.partial(
        pl.kernel,
        mesh=mesh,
        out_type=jax.ShapeDtypeStruct(
            (total_rows // _M, 2 * c_feat, _M), jnp.float32),
        compiler_params=pltpu.CompilerParams(
            needs_layout_passes=False, use_tc_tiling_on_sc=False),
        scratch_types=[
            pltpu.VMEM((rpw, 16), jnp.float32),
            pltpu.VMEM((2, n), jnp.float32),
            pltpu.VMEM((n,), jnp.float32),
            pltpu.VMEM((n,), jnp.int32),
            pltpu.VMEM((nchunks,), jnp.int32),
            pltpu.VMEM((rpw * 16,), jnp.int32),
            pltpu.VMEM((2, 512, 64), jnp.float32),
            pltpu.VMEM((c_feat, rpw), jnp.float32),
            pltpu.VMEM((c_feat, rpw), jnp.float32),
            pltpu.SemaphoreType.DMA,
            pltpu.SemaphoreType.DMA,
        ],
    )
    def body(s_hbm, t_hbm, ft_hbm, feats_hbm, out_hbm,
             t_v, srow, cand, cidx, hitl, idxall, grows, out_v, fraw,
             sem, sem2):
        wid = lax.axis_index("s") * info.num_cores + lax.axis_index("c")
        base = wid * rpw
        bb = base // _M
        col0 = base - bb * _M
        pltpu.sync_copy(t_hbm.at[pl.ds(base, rpw)], t_v)
        pltpu.sync_copy(
            feats_hbm.at[bb, :, pl.ds(col0, rpw)], fraw)
        pltpu.sync_copy(
            fraw, out_hbm.at[bb, pl.ds(0, c_feat), pl.ds(col0, rpw)])
        lanes = lax.iota(jnp.int32, 16)
        ngroups = nchunks // 16
        pltpu.async_copy(s_hbm.at[base], srow.at[0], sem)

        def per_row(r, _):
            buf = lax.rem(r, 2)
            pltpu.make_async_copy(
                s_hbm.at[base + r], srow.at[buf], sem).wait()

            @pl.when(r + 1 < rpw)
            def _():
                pltpu.async_copy(
                    s_hbm.at[base + r + 1], srow.at[1 - buf], sem)

            tb = t_v[r]

            def count_group(g, hcnt):
                acc = jnp.zeros((16,), jnp.int32)
                for j in range(16):
                    v = srow[buf, pl.ds(g * 256 + j * 16, 16)]
                    msk = v <= tb
                    pc = plsc.all_reduce_population_count(msk)
                    acc = acc + jnp.where(lanes == j, pc, 0)
                gm = acc > 0
                ranks = plsc.cumsum(jnp.where(gm, 1, 0))
                dst = hcnt + ranks - 1
                plsc.store_scatter(hitl, [dst], g * 16 + lanes, mask=gm)
                return hcnt + plsc.all_reduce_population_count(gm)

            hcnt = lax.fori_loop(
                0, ngroups, count_group, jnp.zeros((16,), jnp.int32))
            nh = jnp.max(hcnt)

            def hit_chunk(j, cnt):
                cid = plsc.load_gather(hitl, [jnp.full((16,), j, jnp.int32)])
                vidx = cid * 16 + lanes
                v = plsc.load_gather(srow.at[buf], [vidx])
                msk = v <= tb
                ranks = plsc.cumsum(jnp.where(msk, 1, 0))
                dst = cnt + ranks - 1
                plsc.store_scatter(cand, [dst], v, mask=msk)
                plsc.store_scatter(cidx, [dst], vidx, mask=msk)
                return cnt + plsc.all_reduce_population_count(msk)

            cnt = lax.fori_loop(
                0, nh, hit_chunk, jnp.zeros((16,), jnp.int32))
            cnt_s = jnp.max(cnt)
            nmerge = (cnt_s + 15) // 16

            def merge(j, carry):
                bv, bi = carry
                v = cand[pl.ds(j * 16, 16)]
                ci = cidx[pl.ds(j * 16, 16)]
                valid = (lanes + j * 16) < cnt
                v = jnp.where(valid, v, _BIG)
                sv, si = plsc.sort_key_val(v, ci)
                rv = lax.rev(sv, (0,))
                ri = lax.rev(si, (0,))
                take = rv < bv
                nv = jnp.where(take, rv, bv)
                ni = jnp.where(take, ri, bi)
                return tuple(plsc.sort_key_val(nv, ni))

            best0 = (jnp.full((16,), _BIG, jnp.float32),
                     jnp.zeros((16,), jnp.int32))
            _, bi = lax.fori_loop(0, nmerge, merge, best0)

            b = (base + r) // _M
            idxall[pl.ds(r * 16, 16)] = bi + b * n
            return 0

        lax.fori_loop(0, rpw, per_row, 0)

        npb = 32
        nbat = rpw // npb
        pltpu.async_copy(
            ft_hbm.at[idxall.at[pl.ds(0, npb * 16)]], grows.at[0], sem2)

        def gbatch(g, _):
            gb = lax.rem(g, 2)
            pltpu.make_async_copy(
                ft_hbm.at[idxall.at[pl.ds(g * npb * 16, npb * 16)]],
                grows.at[gb], sem2).wait()

            @pl.when(g + 1 < nbat)
            def _():
                pltpu.async_copy(
                    ft_hbm.at[idxall.at[pl.ds((g + 1) * npb * 16, npb * 16)]],
                    grows.at[1 - gb], sem2)

            def node(i, _):
                nd_ = g * npb + i
                for cb in range(64 // 16):
                    acc = grows[gb, i * 16, pl.ds(cb * 16, 16)]
                    for q in range(1, 16):
                        acc = jnp.maximum(
                            acc, grows[gb, i * 16 + q, pl.ds(cb * 16, 16)])
                    plsc.store_scatter(
                        out_v, [cb * 16 + lanes,
                                jnp.full((16,), nd_, jnp.int32)], acc)
                return 0

            lax.fori_loop(0, npb, node, 0)
            return 0

        lax.fori_loop(0, nbat, gbatch, 0)
        pltpu.sync_copy(
            out_v, out_hbm.at[bb, pl.ds(c_feat, c_feat), pl.ds(col0, rpw)])

    return body


@jax.jit
def kernel(input_coords, input_feats):
    B, _, N = input_coords.shape
    C = input_feats.shape[1]
    coords_p = jnp.pad(input_coords, ((0, 0), (0, 5), (0, 0)))
    nodes_t = jnp.transpose(coords_p[:, :, :_M], (0, 2, 1))

    grid = (B, _M // _MC)
    s_all, t_all, ft_all = pl.pallas_call(
        _tc_body,
        grid=grid,
        in_specs=[
            pl.BlockSpec((1, 8, N), lambda b, m: (b, 0, 0)),
            pl.BlockSpec((1, _MC, 8), lambda b, m: (b, m, 0)),
            pl.BlockSpec((1, C, N), lambda b, m: (b, 0, 0)),
        ],
        out_specs=[
            pl.BlockSpec((1, _MC, N), lambda b, m: (b, m, 0)),
            pl.BlockSpec((1, _MC, 16), lambda b, m: (b, m, 0)),
            pl.BlockSpec((1, N, C), lambda b, m: (b, 0, 0)),
        ],
        out_shape=[
            jax.ShapeDtypeStruct((B, _M, N), jnp.float32),
            jax.ShapeDtypeStruct((B, _M, 16), jnp.float32),
            jax.ShapeDtypeStruct((B, N, C), jnp.float32),
        ],
    )(coords_p, nodes_t, input_feats)

    total = B * _M
    s_flat = s_all.reshape(total, N)
    t_flat = t_all.reshape(total, 16)
    ft_flat = ft_all.reshape(B * N, C)

    pool_feats = _sc_kernel(total, N, C)(
        s_flat, t_flat, ft_flat, input_feats)

    pool_coords = input_coords[:, :, :_M]
    return (pool_coords, pool_coords, pool_feats)

# --- scband reference (transcript-rebuilt; emitter-appended) ---
"""Pipeline reference for scband-rand-pool-36739150250678 (READ-ONLY COPY).

The authoritative reference and input builder live on the scoring server;
editing this copy changes nothing except your own understanding.
"""

import jax, jax.numpy as jnp
import numpy as np

NUM_SAMPLE = 1024
NUM_AGG = 16


def setup_inputs(seed: int = 0) -> dict:
    key = jax.random.key(seed)
    k1, k2 = jax.random.split(key)
    input_coords = jax.random.normal(k1, (4, 3, 4096), dtype=jnp.float32)
    input_feats = jax.random.normal(k2, (4, 64, 4096), dtype=jnp.float32)
    return {"input_coords": input_coords, "input_feats": input_feats}


def aggregate(xyz, node, features, k):
    # xyz: (B,3,N), node: (B,3,M), features: (B,C,N)
    diff = xyz[:, :, :, None] - node[:, :, None, :]          # (B,3,N,M)
    diff_norm = jnp.sum(diff ** 2, axis=1)                   # (B,N,M)
    # topk smallest along the N axis -> negate and use lax.top_k on last axis
    neg = -jnp.transpose(diff_norm, (0, 2, 1))               # (B,M,N)
    _, nn_idx = jax.lax.top_k(neg, k)                        # (B,M,k)
    nn_idx = jnp.transpose(nn_idx, (0, 2, 1))                # (B,k,M)
    B, kk, M = nn_idx.shape
    idx_fold = nn_idx.reshape(B, 1, kk * M)                  # (B,1,k*M)
    grouped = jnp.take_along_axis(features, idx_fold, axis=2)  # (B,C,k*M)
    unfold = grouped.reshape(B, features.shape[1], kk, M)    # (B,C,k,M)
    return jnp.max(unfold, axis=2)                           # (B,C,M)


def reference(input_coords, input_feats):
    pool_coords = input_coords[:, :, :NUM_SAMPLE]
    pool_feats = input_feats[:, :, :NUM_SAMPLE]
    agg_features = aggregate(input_coords, pool_coords, input_feats, NUM_AGG)
    pool_feats = jnp.concatenate((pool_feats, agg_features), axis=1)
    return (pool_coords, pool_coords, pool_feats)

if __name__ == "__main__":
    import jax
    _d = setup_inputs()
    print(jax.jit(kernel)(*tuple(_d.values())))

</pallas_src>

<mosaic_0001>
#map = affine_map<(d0, d1) -> (0, 0)>
#map1 = affine_map<(d0, d1) -> (0, 0, 0)>
module attributes {stable_mosaic.version = 14 : i64} {
  func.func @body(%arg0: i32, %arg1: i32, %arg2: memref<4096x4096xf32, #tpu.memory_space<hbm>>, %arg3: memref<4096x16xf32, #tpu.memory_space<hbm>>, %arg4: memref<16384x64xf32, #tpu.memory_space<hbm>>, %arg5: memref<4x64x4096xf32, #tpu.memory_space<hbm>>, %arg6: memref<4x128x1024xf32, #tpu.memory_space<hbm>>, %arg7: memref<128x16xf32, #tpu.memory_space<vmem>>, %arg8: memref<2x4096xf32, #tpu.memory_space<vmem>>, %arg9: memref<4096xf32, #tpu.memory_space<vmem>>, %arg10: memref<4096xi32, #tpu.memory_space<vmem>>, %arg11: memref<256xi32, #tpu.memory_space<vmem>>, %arg12: memref<2048xi32, #tpu.memory_space<vmem>>, %arg13: memref<2x512x64xf32, #tpu.memory_space<vmem>>, %arg14: memref<64x128xf32, #tpu.memory_space<vmem>>, %arg15: memref<64x128xf32, #tpu.memory_space<vmem>>, %arg16: memref<!tpu.dma_semaphore, #tpu.memory_space<semaphore_mem>>, %arg17: memref<!tpu.dma_semaphore, #tpu.memory_space<semaphore_mem>>) attributes {dimension_semantics = [#tpu.dimension_semantics<core_parallel>, #tpu.dimension_semantics<subcore_parallel>], iteration_bounds = array<i64: 2, 16>, scalar_prefetch = 0 : i64, scratch_operands = 11 : i64, tpu.core_type = #tpu.core_type<sc_vector_subcore>, window_params = [{transform_indices = #map}, {transform_indices = #map}, {transform_indices = #map}, {transform_indices = #map1}, {transform_indices = #map1}]} {
    %mul3A = arith.constant 2 : i32
    %mul3A_0 = arith.muli %arg1, %mul3A : i32
    %add3A = arith.addi %mul3A_0, %arg0 : i32
    %mul3A_1 = arith.constant 128 : i32
    %mul3A_2 = arith.muli %add3A, %mul3A_1 : i32
    %jit3A = arith.constant 1024 : i32
    %div3A = arith.divsi %mul3A_2, %jit3A : i32
    %sign3A = arith.constant 0 : i32
    %sign3A_3 = arith.cmpi sgt, %mul3A_2, %sign3A : i32
    %sign3A_4 = arith.extui %sign3A_3 : i1 to i32
    %sign3A_5 = arith.constant 0 : i32
    %sign3A_6 = arith.cmpi slt, %mul3A_2, %sign3A_5 : i32
    %sign3A_7 = arith.extui %sign3A_6 : i1 to i32
    %sign3A_8 = arith.subi %sign3A_4, %sign3A_7 : i32
    %sign3A_9 = arith.constant 0 : i32
    %sign3A_10 = arith.cmpi sgt, %jit3A, %sign3A_9 : i32
    %sign3A_11 = arith.extui %sign3A_10 : i1 to i32
    %sign3A_12 = arith.constant 0 : i32
    %sign3A_13 = arith.cmpi slt, %jit3A, %sign3A_12 : i32
    %sign3A_14 = arith.extui %sign3A_13 : i1 to i32
    %sign3A_15 = arith.subi %sign3A_11, %sign3A_14 : i32
    %ne3A = arith.cmpi ne, %sign3A_8, %sign3A_15 : i32
    %rem3A = arith.remsi %mul3A_2, %jit3A : i32
    %ne3A_16 = arith.constant 0 : i32
    %ne3A_17 = arith.cmpi ne, %rem3A, %ne3A_16 : i32
    %and3A = arith.andi %ne3A, %ne3A_17 : i1
    %sub3A = arith.constant 1 : i32
    %sub3A_18 = arith.subi %div3A, %sub3A : i32
    %select_n3A = arith.select %and3A, %sub3A_18, %div3A : i32
    %mul3A_19 = arith.constant 1024 : i32
    %mul3A_20 = arith.muli %select_n3A, %mul3A_19 : i32
    %sub3A_21 = arith.subi %mul3A_2, %mul3A_20 : i32
    "tpu.region"() ({
      %run_scoped3A = tpu.sem_alloc : memref<!tpu.dma_semaphore, #tpu.memory_space<semaphore_mem>>
      %dma_start3A_57 = arith.constant 0 : i32
      %dma_start3A_58 = tpu.memref_slice %arg3[%mul3A_2, %dma_start3A_57] : memref<4096x16xf32, #tpu.memory_space<hbm>> -> memref<128x16xf32, #tpu.memory_space<hbm>>
      %dma_start3A_59 = arith.constant 0 : i32
      %dma_start3A_60 = tpu.memref_slice %arg3[%mul3A_2, %dma_start3A_59] : memref<4096x16xf32, #tpu.memory_space<hbm>> -> memref<128x16xf32, #tpu.memory_space<hbm>>
      tpu.enqueue_dma source(%dma_start3A_60 : memref<128x16xf32, #tpu.memory_space<hbm>>) target(%arg7 : memref<128x16xf32, #tpu.memory_space<vmem>>) target_semaphore(%run_scoped3A : memref<!tpu.dma_semaphore, #tpu.memory_space<semaphore_mem>>)
      %dma_wait3A = arith.constant 0 : i32
      %dma_wait3A_61 = tpu.memref_slice %arg3[%mul3A_2, %dma_wait3A] : memref<4096x16xf32, #tpu.memory_space<hbm>> -> memref<128x16xf32, #tpu.memory_space<hbm>>
      %dma_wait3A_62 = arith.constant 0 : i32
      %dma_wait3A_63 = tpu.memref_slice %arg3[%mul3A_2, %dma_wait3A_62] : memref<4096x16xf32, #tpu.memory_space<hbm>> -> memref<128x16xf32, #tpu.memory_space<hbm>>
      tpu.wait_dma2 semaphore(%run_scoped3A : memref<!tpu.dma_semaphore, #tpu.memory_space<semaphore_mem>>) src(%dma_wait3A_63 : memref<128x16xf32, #tpu.memory_space<hbm>>) dst(%arg7 : memref<128x16xf32, #tpu.memory_space<vmem>>)
      tpu.yield
    }) : () -> ()
    "tpu.region"() ({
      %run_scoped3A = tpu.sem_alloc : memref<!tpu.dma_semaphore, #tpu.memory_space<semaphore_mem>>
      %dma_start3A_57 = arith.constant 0 : i32
      %dma_start3A_58 = tpu.memref_slice %arg5[%select_n3A, %dma_start3A_57, %sub3A_21] : memref<4x64x4096xf32, #tpu.memory_space<hbm>> -> memref<1x64x128xf32, #tpu.memory_space<hbm>>
      %dma_start3A_59 = tpu.memref_squeeze %dma_start3A_58 : memref<1x64x128xf32, #tpu.memory_space<hbm>> -> memref<64x128xf32, #tpu.memory_space<hbm>>
      %dma_start3A_60 = arith.constant 0 : i32
      %dma_start3A_61 = tpu.memref_slice %arg5[%select_n3A, %dma_start3A_60, %sub3A_21] : memref<4x64x4096xf32, #tpu.memory_space<hbm>> -> memref<1x64x128xf32, #tpu.memory_space<hbm>>
      %dma_start3A_62 = tpu.memref_squeeze %dma_start3A_61 : memref<1x64x128xf32, #tpu.memory_space<hbm>> -> memref<64x128xf32, #tpu.memory_space<hbm>>
      tpu.enqueue_dma source(%dma_start3A_62 : memref<64x128xf32, #tpu.memory_space<hbm>>) target(%arg15 : memref<64x128xf32, #tpu.memory_space<vmem>>) target_semaphore(%run_scoped3A : memref<!tpu.dma_semaphore, #tpu.memory_space<semaphore_mem>>)
      %dma_wait3A = arith.constant 0 : i32
      %dma_wait3A_63 = tpu.memref_slice %arg5[%select_n3A, %dma_wait3A, %sub3A_21] : memref<4x64x4096xf32, #tpu.memory_space<hbm>> -> memref<1x64x128xf32, #tpu.memory_space<hbm>>
      %dma_wait3A_64 = tpu.memref_squeeze %dma_wait3A_63 : memref<1x64x128xf32, #tpu.memory_space<hbm>> -> memref<64x128xf32, #tpu.memory_space<hbm>>
      %dma_wait3A_65 = arith.constant 0 : i32
      %dma_wait3A_66 = tpu.memref_slice %arg5[%select_n3A, %dma_wait3A_65, %sub3A_21] : memref<4x64x4096xf32, #tpu.memory_space<hbm>> -> memref<1x64x128xf32, #tpu.memory_space<hbm>>
      %dma_wait3A_67 = tpu.memref_squeeze %dma_wait3A_66 : memref<1x64x128xf32, #tpu.memory_space<hbm>> -> memref<64x128xf32, #tpu.memory_space<hbm>>
      tpu.wait_dma2 semaphore(%run_scoped3A : memref<!tpu.dma_semaphore, #tpu.memory_space<semaphore_mem>>) src(%dma_wait3A_67 : memref<64x128xf32, #tpu.memory_space<hbm>>) dst(%arg15 : memref<64x128xf32, #tpu.memory_space<vmem>>)
      tpu.yield
    }) : () -> ()
    "tpu.region"() ({
      %run_scoped3A = tpu.sem_alloc : memref<!tpu.dma_semaphore, #tpu.memory_space<semaphore_mem>>
      %dma_start3A_57 = arith.constant 0 : i32
      %dma_start3A_58 = tpu.memref_slice %arg6[%select_n3A, %dma_start3A_57, %sub3A_21] : memref<4x128x1024xf32, #tpu.memory_space<hbm>> -> memref<1x64x128xf32, #tpu.memory_space<hbm>>
      %dma_start3A_59 = tpu.memref_squeeze %dma_start3A_58 : memref<1x64x128xf32, #tpu.memory_space<hbm>> -> memref<64x128xf32, #tpu.memory_space<hbm>>
      %dma_start3A_60 = arith.constant 0 : i32
      %dma_start3A_61 = tpu.memref_slice %arg6[%select_n3A, %dma_start3A_60, %sub3A_21] : memref<4x128x1024xf32, #tpu.memory_space<hbm>> -> memref<1x64x128xf32, #tpu.memory_space<hbm>>
      %dma_start3A_62 = tpu.memref_squeeze %dma_start3A_61 : memref<1x64x128xf32, #tpu.memory_space<hbm>> -> memref<64x128xf32, #tpu.memory_space<hbm>>
      tpu.enqueue_dma source(%arg15 : memref<64x128xf32, #tpu.memory_space<vmem>>) target(%dma_start3A_62 : memref<64x128xf32, #tpu.memory_space<hbm>>) target_semaphore(%run_scoped3A : memref<!tpu.dma_semaphore, #tpu.memory_space<semaphore_mem>>)
      %dma_wait3A = arith.constant 0 : i32
      %dma_wait3A_63 = tpu.memref_slice %arg6[%select_n3A, %dma_wait3A, %sub3A_21] : memref<4x128x1024xf32, #tpu.memory_space<hbm>> -> memref<1x64x128xf32, #tpu.memory_space<hbm>>
      %dma_wait3A_64 = tpu.memref_squeeze %dma_wait3A_63 : memref<1x64x128xf32, #tpu.memory_space<hbm>> -> memref<64x128xf32, #tpu.memory_space<hbm>>
      %dma_wait3A_65 = arith.constant 0 : i32
      %dma_wait3A_66 = tpu.memref_slice %arg6[%select_n3A, %dma_wait3A_65, %sub3A_21] : memref<4x128x1024xf32, #tpu.memory_space<hbm>> -> memref<1x64x128xf32, #tpu.memory_space<hbm>>
      %dma_wait3A_67 = tpu.memref_squeeze %dma_wait3A_66 : memref<1x64x128xf32, #tpu.memory_space<hbm>> -> memref<64x128xf32, #tpu.memory_space<hbm>>
      tpu.wait_dma2 semaphore(%run_scoped3A : memref<!tpu.dma_semaphore, #tpu.memory_space<semaphore_mem>>) src(%arg15 : memref<64x128xf32, #tpu.memory_space<vmem>>) dst(%dma_wait3A_67 : memref<64x128xf32, #tpu.memory_space<hbm>>)
      tpu.yield
    }) : () -> ()
    %iota3A = tpu.iota {dimensions = array<i32: 0>} : vector<16xi32>
    %dma_start3A = arith.constant 0 : i32
    %dma_start3A_22 = arith.constant 0 : i32
    %dma_start3A_23 = tpu.memref_slice %arg8[%dma_start3A, %dma_start3A_22] : memref<2x4096xf32, #tpu.memory_space<vmem>> -> memref<1x4096xf32, #tpu.memory_space<vmem>>
    %dma_start3A_24 = tpu.memref_squeeze %dma_start3A_23 : memref<1x4096xf32, #tpu.memory_space<vmem>> -> memref<4096xf32, #tpu.memory_space<vmem>>
    %dma_start3A_25 = arith.constant 0 : i32
    %dma_start3A_26 = tpu.memref_slice %arg2[%mul3A_2, %dma_start3A_25] : memref<4096x4096xf32, #tpu.memory_space<hbm>> -> memref<1x4096xf32, #tpu.memory_space<hbm>>
    %dma_start3A_27 = tpu.memref_squeeze %dma_start3A_26 : memref<1x4096xf32, #tpu.memory_space<hbm>> -> memref<4096xf32, #tpu.memory_space<hbm>>
    %dma_start3A_28 = arith.constant 0 : i32
    %dma_start3A_29 = tpu.memref_slice %arg8[%dma_start3A, %dma_start3A_28] : memref<2x4096xf32, #tpu.memory_space<vmem>> -> memref<1x4096xf32, #tpu.memory_space<vmem>>
    %dma_start3A_30 = tpu.memref_squeeze %dma_start3A_29 : memref<1x4096xf32, #tpu.memory_space<vmem>> -> memref<4096xf32, #tpu.memory_space<vmem>>
    %dma_start3A_31 = arith.constant 0 : i32
    %dma_start3A_32 = tpu.memref_slice %arg2[%mul3A_2, %dma_start3A_31] : memref<4096x4096xf32, #tpu.memory_space<hbm>> -> memref<1x4096xf32, #tpu.memory_space<hbm>>
    %dma_start3A_33 = tpu.memref_squeeze %dma_start3A_32 : memref<1x4096xf32, #tpu.memory_space<hbm>> -> memref<4096xf32, #tpu.memory_space<hbm>>
    tpu.enqueue_dma source(%dma_start3A_33 : memref<4096xf32, #tpu.memory_space<hbm>>) target(%dma_start3A_30 : memref<4096xf32, #tpu.memory_space<vmem>>) target_semaphore(%arg16 : memref<!tpu.dma_semaphore, #tpu.memory_space<semaphore_mem>>)
    %scan3A = arith.constant 0 : i32
    %scan3A_34 = arith.constant 0 : i32
    %scan3A_35 = arith.constant 128 : i32
    %scan3A_36 = arith.addi %scan3A_34, %scan3A_35 : i32
    %scan3A_37 = arith.constant 1 : i32
    %scan3A_38 = scf.for %scan3A_57 = %scan3A_34 to %scan3A_36 step %scan3A_37 iter_args(%scan3A_58 = %scan3A) -> (i32)  : i32 {
      %rem3A_59 = arith.constant 2 : i32
      %rem3A_60 = arith.remsi %scan3A_57, %rem3A_59 : i32
      %add3A_61 = arith.addi %mul3A_2, %scan3A_57 : i32
      %dma_wait3A = arith.constant 0 : i32
      %dma_wait3A_62 = tpu.memref_slice %arg8[%rem3A_60, %dma_wait3A] : memref<2x4096xf32, #tpu.memory_space<vmem>> -> memref<1x4096xf32, #tpu.memory_space<vmem>>
      %dma_wait3A_63 = tpu.memref_squeeze %dma_wait3A_62 : memref<1x4096xf32, #tpu.memory_space<vmem>> -> memref<4096xf32, #tpu.memory_space<vmem>>
      %dma_wait3A_64 = arith.constant 0 : i32
      %dma_wait3A_65 = tpu.memref_slice %arg2[%add3A_61, %dma_wait3A_64] : memref<4096x4096xf32, #tpu.memory_space<hbm>> -> memref<1x4096xf32, #tpu.memory_space<hbm>>
      %dma_wait3A_66 = tpu.memref_squeeze %dma_wait3A_65 : memref<1x4096xf32, #tpu.memory_space<hbm>> -> memref<4096xf32, #tpu.memory_space<hbm>>
      %dma_wait3A_67 = arith.constant 0 : i32
      %dma_wait3A_68 = tpu.memref_slice %arg8[%rem3A_60, %dma_wait3A_67] : memref<2x4096xf32, #tpu.memory_space<vmem>> -> memref<1x4096xf32, #tpu.memory_space<vmem>>
      %dma_wait3A_69 = tpu.memref_squeeze %dma_wait3A_68 : memref<1x4096xf32, #tpu.memory_space<vmem>> -> memref<4096xf32, #tpu.memory_space<vmem>>
      %dma_wait3A_70 = arith.constant 0 : i32
      %dma_wait3A_71 = tpu.memref_slice %arg2[%add3A_61, %dma_wait3A_70] : memref<4096x4096xf32, #tpu.memory_space<hbm>> -> memref<1x4096xf32, #tpu.memory_space<hbm>>
      %dma_wait3A_72 = tpu.memref_squeeze %dma_wait3A_71 : memref<1x4096xf32, #tpu.memory_space<hbm>> -> memref<4096xf32, #tpu.memory_space<hbm>>
      tpu.wait_dma2 semaphore(%arg16 : memref<!tpu.dma_semaphore, #tpu.memory_space<semaphore_mem>>) src(%dma_wait3A_72 : memref<4096xf32, #tpu.memory_space<hbm>>) dst(%dma_wait3A_69 : memref<4096xf32, #tpu.memory_space<vmem>>)
      %add3A_73 = arith.constant 1 : i32
      %add3A_74 = arith.addi %scan3A_57, %add3A_73 : i32
      %lt3A = arith.constant 128 : i32
      %lt3A_75 = arith.cmpi slt, %add3A_74, %lt3A : i32
      %convert_element_type3A = arith.extui %lt3A_75 : i1 to i32
      %cond3A = arith.constant 0 : i32
      %cond3A_76 = arith.cmpi ne, %convert_element_type3A, %cond3A : i32
      scf.if %cond3A_76 {
        %add3A_187 = arith.addi %mul3A_2, %scan3A_57 : i32
        %add3A_188 = arith.constant 1 : i32
        %add3A_189 = arith.addi %add3A_187, %add3A_188 : i32
        %sub3A_190 = arith.constant 1 : i32
        %sub3A_191 = arith.subi %sub3A_190, %rem3A_60 : i32
        %dma_start3A_192 = arith.constant 0 : i32
        %dma_start3A_193 = tpu.memref_slice %arg8[%sub3A_191, %dma_start3A_192] : memref<2x4096xf32, #tpu.memory_space<vmem>> -> memref<1x4096xf32, #tpu.memory_space<vmem>>
        %dma_start3A_194 = tpu.memref_squeeze %dma_start3A_193 : memref<1x4096xf32, #tpu.memory_space<vmem>> -> memref<4096xf32, #tpu.memory_space<vmem>>
        %dma_start3A_195 = arith.constant 0 : i32
        %dma_start3A_196 = tpu.memref_slice %arg2[%add3A_189, %dma_start3A_195] : memref<4096x4096xf32, #tpu.memory_space<hbm>> -> memref<1x4096xf32, #tpu.memory_space<hbm>>
        %dma_start3A_197 = tpu.memref_squeeze %dma_start3A_196 : memref<1x4096xf32, #tpu.memory_space<hbm>> -> memref<4096xf32, #tpu.memory_space<hbm>>
        %dma_start3A_198 = arith.constant 0 : i32
        %dma_start3A_199 = tpu.memref_slice %arg8[%sub3A_191, %dma_start3A_198] : memref<2x4096xf32, #tpu.memory_space<vmem>> -> memref<1x4096xf32, #tpu.memory_space<vmem>>
        %dma_start3A_200 = tpu.memref_squeeze %dma_start3A_199 : memref<1x4096xf32, #tpu.memory_space<vmem>> -> memref<4096xf32, #tpu.memory_space<vmem>>
        %dma_start3A_201 = arith.constant 0 : i32
        %dma_start3A_202 = tpu.memref_slice %arg2[%add3A_189, %dma_start3A_201] : memref<4096x4096xf32, #tpu.memory_space<hbm>> -> memref<1x4096xf32, #tpu.memory_space<hbm>>
        %dma_start3A_203 = tpu.memref_squeeze %dma_start3A_202 : memref<1x4096xf32, #tpu.memory_space<hbm>> -> memref<4096xf32, #tpu.memory_space<hbm>>
        tpu.enqueue_dma source(%dma_start3A_203 : memref<4096xf32, #tpu.memory_space<hbm>>) target(%dma_start3A_200 : memref<4096xf32, #tpu.memory_space<vmem>>) target_semaphore(%arg16 : memref<!tpu.dma_semaphore, #tpu.memory_space<semaphore_mem>>)
      } else {
      }
      %get3A = arith.index_cast %scan3A_57 : i32 to index
      %get3A_77 = arith.constant 0 : index
      %get3A_78 = tpu.vector_load %arg7[%get3A, %get3A_77] {strides = array<i32>} : memref<128x16xf32, #tpu.memory_space<vmem>>, vector<16xf32>,
      %broadcast_in_dim3A = arith.constant 0 : i32
      %broadcast_in_dim3A_79 = vector.broadcast %broadcast_in_dim3A : i32 to vector<16xi32>
      %scan3A_80 = arith.constant 0 : i32
      %scan3A_81 = arith.constant 16 : i32
      %scan3A_82 = arith.addi %scan3A_80, %scan3A_81 : i32
      %scan3A_83 = arith.constant 1 : i32
      %scan3A_84 = scf.for %scan3A_187 = %scan3A_80 to %scan3A_82 step %scan3A_83 iter_args(%scan3A_188 = %broadcast_in_dim3A_79) -> (vector<16xi32>)  : i32 {
        %broadcast_in_dim3A_189 = arith.constant 0 : i32
        %broadcast_in_dim3A_190 = vector.broadcast %broadcast_in_dim3A_189 : i32 to vector<16xi32>
        %mul3A_191 = arith.constant 256 : i32
        %mul3A_192 = arith.muli %scan3A_187, %mul3A_191 : i32
        %add3A_193 = arith.constant 0 : i32
        %add3A_194 = arith.addi %mul3A_192, %add3A_193 : i32
        %get3A_195 = arith.index_cast %rem3A_60 : i32 to index
        %get3A_196 = arith.index_cast %add3A_194 : i32 to index
        %get3A_197 = tpu.vector_load %arg8[%get3A_195, %get3A_196] {strides = array<i32>} : memref<2x4096xf32, #tpu.memory_space<vmem>>, vector<16xf32>,
        %le3A = arith.cmpf ole, %get3A_197, %get3A_78 : vector<16xf32>
        %all_reduce_population_count3A = tpu.all_reduce %le3A {dim = 0 : i64, kind = #tpu.reduction_kind<sum>} : vector<16xi1> -> vector<16xi32>
        %eq3A = arith.constant 0 : i32
        %eq3A_198 = vector.broadcast %eq3A : i32 to vector<16xi32>
        %eq3A_199 = arith.cmpi eq, %iota3A, %eq3A_198 : vector<16xi32>
        %jit3A_200 = arith.constant 0 : i32
        %broadcast_in_dim3A_201 = vector.broadcast %jit3A_200 : i32 to vector<16xi32>
        %select_n3A_202 = arith.select %eq3A_199, %all_reduce_population_count3A, %broadcast_in_dim3A_201 : vector<16xi1>, vector<16xi32>
        %add3A_203 = arith.addi %broadcast_in_dim3A_190, %select_n3A_202 : vector<16xi32>
        %mul3A_204 = arith.constant 256 : i32
        %mul3A_205 = arith.muli %scan3A_187, %mul3A_204 : i32
        %add3A_206 = arith.constant 16 : i32
        %add3A_207 = arith.addi %mul3A_205, %add3A_206 : i32
        %get3A_208 = arith.index_cast %rem3A_60 : i32 to index
        %get3A_209 = arith.index_cast %add3A_207 : i32 to index
        %get3A_210 = tpu.vector_load %arg8[%get3A_208, %get3A_209] {strides = array<i32>} : memref<2x4096xf32, #tpu.memory_space<vmem>>, vector<16xf32>,
        %le3A_211 = arith.cmpf ole, %get3A_210, %get3A_78 : vector<16xf32>
        %all_reduce_population_count3A_212 = tpu.all_reduce %le3A_211 {dim = 0 : i64, kind = #tpu.reduction_kind<sum>} : vector<16xi1> -> vector<16xi32>
        %eq3A_213 = arith.constant 1 : i32
        %eq3A_214 = vector.broadcast %eq3A_213 : i32 to vector<16xi32>
        %eq3A_215 = arith.cmpi eq, %iota3A, %eq3A_214 : vector<16xi32>
        %jit3A_216 = arith.constant 0 : i32
        %broadcast_in_dim3A_217 = vector.broadcast %jit3A_216 : i32 to vector<16xi32>
        %select_n3A_218 = arith.select %eq3A_215, %all_reduce_population_count3A_212, %broadcast_in_dim3A_217 : vector<16xi1>, vector<16xi32>
        %add3A_219 = arith.addi %add3A_203, %select_n3A_218 : vector<16xi32>
        %mul3A_220 = arith.constant 256 : i32
        %mul3A_221 = arith.muli %scan3A_187, %mul3A_220 : i32
        %add3A_222 = arith.constant 32 : i32
        %add3A_223 = arith.addi %mul3A_221, %add3A_222 : i32
        %get3A_224 = arith.index_cast %rem3A_60 : i32 to index
        %get3A_225 = arith.index_cast %add3A_223 : i32 to index
        %get3A_226 = tpu.vector_load %arg8[%get3A_224, %get3A_225] {strides = array<i32>} : memref<2x4096xf32, #tpu.memory_space<vmem>>, vector<16xf32>,
        %le3A_227 = arith.cmpf ole, %get3A_226, %get3A_78 : vector<16xf32>
        %all_reduce_population_count3A_228 = tpu.all_reduce %le3A_227 {dim = 0 : i64, kind = #tpu.reduction_kind<sum>} : vector<16xi1> -> vector<16xi32>
        %eq3A_229 = arith.constant 2 : i32
        %eq3A_230 = vector.broadcast %eq3A_229 : i32 to vector<16xi32>
        %eq3A_231 = arith.cmpi eq, %iota3A, %eq3A_230 : vector<16xi32>
        %jit3A_232 = arith.constant 0 : i32
        %broadcast_in_dim3A_233 = vector.broadcast %jit3A_232 : i32 to vector<16xi32>
        %select_n3A_234 = arith.select %eq3A_231, %all_reduce_population_count3A_228, %broadcast_in_dim3A_233 : vector<16xi1>, vector<16xi32>
        %add3A_235 = arith.addi %add3A_219, %select_n3A_234 : vector<16xi32>
        %mul3A_236 = arith.constant 256 : i32
        %mul3A_237 = arith.muli %scan3A_187, %mul3A_236 : i32
        %add3A_238 = arith.constant 48 : i32
        %add3A_239 = arith.addi %mul3A_237, %add3A_238 : i32
        %get3A_240 = arith.index_cast %rem3A_60 : i32 to index
        %get3A_241 = arith.index_cast %add3A_239 : i32 to index
        %get3A_242 = tpu.vector_load %arg8[%get3A_240, %get3A_241] {strides = array<i32>} : memref<2x4096xf32, #tpu.memory_space<vmem>>, vector<16xf32>,
        %le3A_243 = arith.cmpf ole, %get3A_242, %get3A_78 : vector<16xf32>
        %all_reduce_population_count3A_244 = tpu.all_reduce %le3A_243 {dim = 0 : i64, kind = #tpu.reduction_kind<sum>} : vector<16xi1> -> vector<16xi32>
        %eq3A_245 = arith.constant 3 : i32
        %eq3A_246 = vector.broadcast %eq3A_245 : i32 to vector<16xi32>
        %eq3A_247 = arith.cmpi eq, %iota3A, %eq3A_246 : vector<16xi32>
        %jit3A_248 = arith.constant 0 : i32
        %broadcast_in_dim3A_249 = vector.broadcast %jit3A_248 : i32 to vector<16xi32>
        %select_n3A_250 = arith.select %eq3A_247, %all_reduce_population_count3A_244, %broadcast_in_dim3A_249 : vector<16xi1>, vector<16xi32>
        %add3A_251 = arith.addi %add3A_235, %select_n3A_250 : vector<16xi32>
        %mul3A_252 = arith.constant 256 : i32
        %mul3A_253 = arith.muli %scan3A_187, %mul3A_252 : i32
        %add3A_254 = arith.constant 64 : i32
        %add3A_255 = arith.addi %mul3A_253, %add3A_254 : i32
        %get3A_256 = arith.index_cast %rem3A_60 : i32 to index
        %get3A_257 = arith.index_cast %add3A_255 : i32 to index
        %get3A_258 = tpu.vector_load %arg8[%get3A_256, %get3A_257] {strides = array<i32>} : memref<2x4096xf32, #tpu.memory_space<vmem>>, vector<16xf32>,
        %le3A_259 = arith.cmpf ole, %get3A_258, %get3A_78 : vector<16xf32>
        %all_reduce_population_count3A_260 = tpu.all_reduce %le3A_259 {dim = 0 : i64, kind = #tpu.reduction_kind<sum>} : vector<16xi1> -> vector<16xi32>
        %eq3A_261 = arith.constant 4 : i32
        %eq3A_262 = vector.broadcast %eq3A_261 : i32 to vector<16xi32>
        %eq3A_263 = arith.cmpi eq, %iota3A, %eq3A_262 : vector<16xi32>
        %jit3A_264 = arith.constant 0 : i32
        %broadcast_in_dim3A_265 = vector.broadcast %jit3A_264 : i32 to vector<16xi32>
        %select_n3A_266 = arith.select %eq3A_263, %all_reduce_population_count3A_260, %broadcast_in_dim3A_265 : vector<16xi1>, vector<16xi32>
        %add3A_267 = arith.addi %add3A_251, %select_n3A_266 : vector<16xi32>
        %mul3A_268 = arith.constant 256 : i32
        %mul3A_269 = arith.muli %scan3A_187, %mul3A_268 : i32
        %add3A_270 = arith.constant 80 : i32
        %add3A_271 = arith.addi %mul3A_269, %add3A_270 : i32
        %get3A_272 = arith.index_cast %rem3A_60 : i32 to index
        %get3A_273 = arith.index_cast %add3A_271 : i32 to index
        %get3A_274 = tpu.vector_load %arg8[%get3A_272, %get3A_273] {strides = array<i32>} : memref<2x4096xf32, #tpu.memory_space<vmem>>, vector<16xf32>,
        %le3A_275 = arith.cmpf ole, %get3A_274, %get3A_78 : vector<16xf32>
        %all_reduce_population_count3A_276 = tpu.all_reduce %le3A_275 {dim = 0 : i64, kind = #tpu.reduction_kind<sum>} : vector<16xi1> -> vector<16xi32>
        %eq3A_277 = arith.constant 5 : i32
        %eq3A_278 = vector.broadcast %eq3A_277 : i32 to vector<16xi32>
        %eq3A_279 = arith.cmpi eq, %iota3A, %eq3A_278 : vector<16xi32>
        %jit3A_280 = arith.constant 0 : i32
        %broadcast_in_dim3A_281 = vector.broadcast %jit3A_280 : i32 to vector<16xi32>
        %select_n3A_282 = arith.select %eq3A_279, %all_reduce_population_count3A_276, %broadcast_in_dim3A_281 : vector<16xi1>, vector<16xi32>
        %add3A_283 = arith.addi %add3A_267, %select_n3A_282 : vector<16xi32>
        %mul3A_284 = arith.constant 256 : i32
        %mul3A_285 = arith.muli %scan3A_187, %mul3A_284 : i32
        %add3A_286 = arith.constant 96 : i32
        %add3A_287 = arith.addi %mul3A_285, %add3A_286 : i32
        %get3A_288 = arith.index_cast %rem3A_60 : i32 to index
        %get3A_289 = arith.index_cast %add3A_287 : i32 to index
        %get3A_290 = tpu.vector_load %arg8[%get3A_288, %get3A_289] {strides = array<i32>} : memref<2x4096xf32, #tpu.memory_space<vmem>>, vector<16xf32>,
        %le3A_291 = arith.cmpf ole, %get3A_290, %get3A_78 : vector<16xf32>
        %all_reduce_population_count3A_292 = tpu.all_reduce %le3A_291 {dim = 0 : i64, kind = #tpu.reduction_kind<sum>} : vector<16xi1> -> vector<16xi32>
        %eq3A_293 = arith.constant 6 : i32
        %eq3A_294 = vector.broadcast %eq3A_293 : i32 to vector<16xi32>
        %eq3A_295 = arith.cmpi eq, %iota3A, %eq3A_294 : vector<16xi32>
        %jit3A_296 = arith.constant 0 : i32
        %broadcast_in_dim3A_297 = vector.broadcast %jit3A_296 : i32 to vector<16xi32>
        %select_n3A_298 = arith.select %eq3A_295, %all_reduce_population_count3A_292, %broadcast_in_dim3A_297 : vector<16xi1>, vector<16xi32>
        %add3A_299 = arith.addi %add3A_283, %select_n3A_298 : vector<16xi32>
        %mul3A_300 = arith.constant 256 : i32
        %mul3A_301 = arith.muli %scan3A_187, %mul3A_300 : i32
        %add3A_302 = arith.constant 112 : i32
        %add3A_303 = arith.addi %mul3A_301, %add3A_302 : i32
        %get3A_304 = arith.index_cast %rem3A_60 : i32 to index
        %get3A_305 = arith.index_cast %add3A_303 : i32 to index
        %get3A_306 = tpu.vector_load %arg8[%get3A_304, %get3A_305] {strides = array<i32>} : memref<2x4096xf32, #tpu.memory_space<vmem>>, vector<16xf32>,
        %le3A_307 = arith.cmpf ole, %get3A_306, %get3A_78 : vector<16xf32>
        %all_reduce_population_count3A_308 = tpu.all_reduce %le3A_307 {dim = 0 : i64, kind = #tpu.reduction_kind<sum>} : vector<16xi1> -> vector<16xi32>
        %eq3A_309 = arith.constant 7 : i32
        %eq3A_310 = vector.broadcast %eq3A_309 : i32 to vector<16xi32>
        %eq3A_311 = arith.cmpi eq, %iota3A, %eq3A_310 : vector<16xi32>
        %jit3A_312 = arith.constant 0 : i32
        %broadcast_in_dim3A_313 = vector.broadcast %jit3A_312 : i32 to vector<16xi32>
        %select_n3A_314 = arith.select %eq3A_311, %all_reduce_population_count3A_308, %broadcast_in_dim3A_313 : vector<16xi1>, vector<16xi32>
        %add3A_315 = arith.addi %add3A_299, %select_n3A_314 : vector<16xi32>
        %mul3A_316 = arith.constant 256 : i32
        %mul3A_317 = arith.muli %scan3A_187, %mul3A_316 : i32
        %add3A_318 = arith.constant 128 : i32
        %add3A_319 = arith.addi %mul3A_317, %add3A_318 : i32
        %get3A_320 = arith.index_cast %rem3A_60 : i32 to index
        %get3A_321 = arith.index_cast %add3A_319 : i32 to index
        %get3A_322 = tpu.vector_load %arg8[%get3A_320, %get3A_321] {strides = array<i32>} : memref<2x4096xf32, #tpu.memory_space<vmem>>, vector<16xf32>,
        %le3A_323 = arith.cmpf ole, %get3A_322, %get3A_78 : vector<16xf32>
        %all_reduce_population_count3A_324 = tpu.all_reduce %le3A_323 {dim = 0 : i64, kind = #tpu.reduction_kind<sum>} : vector<16xi1> -> vector<16xi32>
        %eq3A_325 = arith.constant 8 : i32
        %eq3A_326 = vector.broadcast %eq3A_325 : i32 to vector<16xi32>
        %eq3A_327 = arith.cmpi eq, %iota3A, %eq3A_326 : vector<16xi32>
        %jit3A_328 = arith.constant 0 : i32
        %broadcast_in_dim3A_329 = vector.broadcast %jit3A_328 : i32 to vector<16xi32>
        %select_n3A_330 = arith.select %eq3A_327, %all_reduce_population_count3A_324, %broadcast_in_dim3A_329 : vector<16xi1>, vector<16xi32>
        %add3A_331 = arith.addi %add3A_315, %select_n3A_330 : vector<16xi32>
        %mul3A_332 = arith.constant 256 : i32
        %mul3A_333 = arith.muli %scan3A_187, %mul3A_332 : i32
        %add3A_334 = arith.constant 144 : i32
        %add3A_335 = arith.addi %mul3A_333, %add3A_334 : i32
        %get3A_336 = arith.index_cast %rem3A_60 : i32 to index
        %get3A_337 = arith.index_cast %add3A_335 : i32 to index
        %get3A_338 = tpu.vector_load %arg8[%get3A_336, %get3A_337] {strides = array<i32>} : memref<2x4096xf32, #tpu.memory_space<vmem>>, vector<16xf32>,
        %le3A_339 = arith.cmpf ole, %get3A_338, %get3A_78 : vector<16xf32>
        %all_reduce_population_count3A_340 = tpu.all_reduce %le3A_339 {dim = 0 : i64, kind = #tpu.reduction_kind<sum>} : vector<16xi1> -> vector<16xi32>
        %eq3A_341 = arith.constant 9 : i32
        %eq3A_342 = vector.broadcast %eq3A_341 : i32 to vector<16xi32>
        %eq3A_343 = arith.cmpi eq, %iota3A, %eq3A_342 : vector<16xi32>
        %jit3A_344 = arith.constant 0 : i32
        %broadcast_in_dim3A_345 = vector.broadcast %jit3A_344 : i32 to vector<16xi32>
        %select_n3A_346 = arith.select %eq3A_343, %all_reduce_population_count3A_340, %broadcast_in_dim3A_345 : vector<16xi1>, vector<16xi32>
        %add3A_347 = arith.addi %add3A_331, %select_n3A_346 : vector<16xi32>
        %mul3A_348 = arith.constant 256 : i32
        %mul3A_349 = arith.muli %scan3A_187, %mul3A_348 : i32
        %add3A_350 = arith.constant 160 : i32
        %add3A_351 = arith.addi %mul3A_349, %add3A_350 : i32
        %get3A_352 = arith.index_cast %rem3A_60 : i32 to index
        %get3A_353 = arith.index_cast %add3A_351 : i32 to index
        %get3A_354 = tpu.vector_load %arg8[%get3A_352, %get3A_353] {strides = array<i32>} : memref<2x4096xf32, #tpu.memory_space<vmem>>, vector<16xf32>,
        %le3A_355 = arith.cmpf ole, %get3A_354, %get3A_78 : vector<16xf32>
        %all_reduce_population_count3A_356 = tpu.all_reduce %le3A_355 {dim = 0 : i64, kind = #tpu.reduction_kind<sum>} : vector<16xi1> -> vector<16xi32>
        %eq3A_357 = arith.constant 10 : i32
        %eq3A_358 = vector.broadcast %eq3A_357 : i32 to vector<16xi32>
        %eq3A_359 = arith.cmpi eq, %iota3A, %eq3A_358 : vector<16xi32>
        %jit3A_360 = arith.constant 0 : i32
        %broadcast_in_dim3A_361 = vector.broadcast %jit3A_360 : i32 to vector<16xi32>
        %select_n3A_362 = arith.select %eq3A_359, %all_reduce_population_count3A_356, %broadcast_in_dim3A_361 : vector<16xi1>, vector<16xi32>
        %add3A_363 = arith.addi %add3A_347, %select_n3A_362 : vector<16xi32>
        %mul3A_364 = arith.constant 256 : i32
        %mul3A_365 = arith.muli %scan3A_187, %mul3A_364 : i32
        %add3A_366 = arith.constant 176 : i32
        %add3A_367 = arith.addi %mul3A_365, %add3A_366 : i32
        %get3A_368 = arith.index_cast %rem3A_60 : i32 to index
        %get3A_369 = arith.index_cast %add3A_367 : i32 to index
        %get3A_370 = tpu.vector_load %arg8[%get3A_368, %get3A_369] {strides = array<i32>} : memref<2x4096xf32, #tpu.memory_space<vmem>>, vector<16xf32>,
        %le3A_371 = arith.cmpf ole, %get3A_370, %get3A_78 : vector<16xf32>
        %all_reduce_population_count3A_372 = tpu.all_reduce %le3A_371 {dim = 0 : i64, kind = #tpu.reduction_kind<sum>} : vector<16xi1> -> vector<16xi32>
        %eq3A_373 = arith.constant 11 : i32
        %eq3A_374 = vector.broadcast %eq3A_373 : i32 to vector<16xi32>
        %eq3A_375 = arith.cmpi eq, %iota3A, %eq3A_374 : vector<16xi32>
        %jit3A_376 = arith.constant 0 : i32
        %broadcast_in_dim3A_377 = vector.broadcast %jit3A_376 : i32 to vector<16xi32>
        %select_n3A_378 = arith.select %eq3A_375, %all_reduce_population_count3A_372, %broadcast_in_dim3A_377 : vector<16xi1>, vector<16xi32>
        %add3A_379 = arith.addi %add3A_363, %select_n3A_378 : vector<16xi32>
        %mul3A_380 = arith.constant 256 : i32
        %mul3A_381 = arith.muli %scan3A_187, %mul3A_380 : i32
        %add3A_382 = arith.constant 192 : i32
        %add3A_383 = arith.addi %mul3A_381, %add3A_382 : i32
        %get3A_384 = arith.index_cast %rem3A_60 : i32 to index
        %get3A_385 = arith.index_cast %add3A_383 : i32 to index
        %get3A_386 = tpu.vector_load %arg8[%get3A_384, %get3A_385] {strides = array<i32>} : memref<2x4096xf32, #tpu.memory_space<vmem>>, vector<16xf32>,
        %le3A_387 = arith.cmpf ole, %get3A_386, %get3A_78 : vector<16xf32>
        %all_reduce_population_count3A_388 = tpu.all_reduce %le3A_387 {dim = 0 : i64, kind = #tpu.reduction_kind<sum>} : vector<16xi1> -> vector<16xi32>
        %eq3A_389 = arith.constant 12 : i32
        %eq3A_390 = vector.broadcast %eq3A_389 : i32 to vector<16xi32>
        %eq3A_391 = arith.cmpi eq, %iota3A, %eq3A_390 : vector<16xi32>
        %jit3A_392 = arith.constant 0 : i32
        %broadcast_in_dim3A_393 = vector.broadcast %jit3A_392 : i32 to vector<16xi32>
        %select_n3A_394 = arith.select %eq3A_391, %all_reduce_population_count3A_388, %broadcast_in_dim3A_393 : vector<16xi1>, vector<16xi32>
        %add3A_395 = arith.addi %add3A_379, %select_n3A_394 : vector<16xi32>
        %mul3A_396 = arith.constant 256 : i32
        %mul3A_397 = arith.muli %scan3A_187, %mul3A_396 : i32
        %add3A_398 = arith.constant 208 : i32
        %add3A_399 = arith.addi %mul3A_397, %add3A_398 : i32
        %get3A_400 = arith.index_cast %rem3A_60 : i32 to index
        %get3A_401 = arith.index_cast %add3A_399 : i32 to index
        %get3A_402 = tpu.vector_load %arg8[%get3A_400, %get3A_401] {strides = array<i32>} : memref<2x4096xf32, #tpu.memory_space<vmem>>, vector<16xf32>,
        %le3A_403 = arith.cmpf ole, %get3A_402, %get3A_78 : vector<16xf32>
        %all_reduce_population_count3A_404 = tpu.all_reduce %le3A_403 {dim = 0 : i64, kind = #tpu.reduction_kind<sum>} : vector<16xi1> -> vector<16xi32>
        %eq3A_405 = arith.constant 13 : i32
        %eq3A_406 = vector.broadcast %eq3A_405 : i32 to vector<16xi32>
        %eq3A_407 = arith.cmpi eq, %iota3A, %eq3A_406 : vector<16xi32>
        %jit3A_408 = arith.constant 0 : i32
        %broadcast_in_dim3A_409 = vector.broadcast %jit3A_408 : i32 to vector<16xi32>
        %select_n3A_410 = arith.select %eq3A_407, %all_reduce_population_count3A_404, %broadcast_in_dim3A_409 : vector<16xi1>, vector<16xi32>
        %add3A_411 = arith.addi %add3A_395, %select_n3A_410 : vector<16xi32>
        %mul3A_412 = arith.constant 256 : i32
        %mul3A_413 = arith.muli %scan3A_187, %mul3A_412 : i32
        %add3A_414 = arith.constant 224 : i32
        %add3A_415 = arith.addi %mul3A_413, %add3A_414 : i32
        %get3A_416 = arith.index_cast %rem3A_60 : i32 to index
        %get3A_417 = arith.index_cast %add3A_415 : i32 to index
        %get3A_418 = tpu.vector_load %arg8[%get3A_416, %get3A_417] {strides = array<i32>} : memref<2x4096xf32, #tpu.memory_space<vmem>>, vector<16xf32>,
        %le3A_419 = arith.cmpf ole, %get3A_418, %get3A_78 : vector<16xf32>
        %all_reduce_population_count3A_420 = tpu.all_reduce %le3A_419 {dim = 0 : i64, kind = #tpu.reduction_kind<sum>} : vector<16xi1> -> vector<16xi32>
        %eq3A_421 = arith.constant 14 : i32
        %eq3A_422 = vector.broadcast %eq3A_421 : i32 to vector<16xi32>
        %eq3A_423 = arith.cmpi eq, %iota3A, %eq3A_422 : vector<16xi32>
        %jit3A_424 = arith.constant 0 : i32
        %broadcast_in_dim3A_425 = vector.broadcast %jit3A_424 : i32 to vector<16xi32>
        %select_n3A_426 = arith.select %eq3A_423, %all_reduce_population_count3A_420, %broadcast_in_dim3A_425 : vector<16xi1>, vector<16xi32>
        %add3A_427 = arith.addi %add3A_411, %select_n3A_426 : vector<16xi32>
        %mul3A_428 = arith.constant 256 : i32
        %mul3A_429 = arith.muli %scan3A_187, %mul3A_428 : i32
        %add3A_430 = arith.constant 240 : i32
        %add3A_431 = arith.addi %mul3A_429, %add3A_430 : i32
        %get3A_432 = arith.index_cast %rem3A_60 : i32 to index
        %get3A_433 = arith.index_cast %add3A_431 : i32 to index
        %get3A_434 = tpu.vector_load %arg8[%get3A_432, %get3A_433] {strides = array<i32>} : memref<2x4096xf32, #tpu.memory_space<vmem>>, vector<16xf32>,
        %le3A_435 = arith.cmpf ole, %get3A_434, %get3A_78 : vector<16xf32>
        %all_reduce_population_count3A_436 = tpu.all_reduce %le3A_435 {dim = 0 : i64, kind = #tpu.reduction_kind<sum>} : vector<16xi1> -> vector<16xi32>
        %eq3A_437 = arith.constant 15 : i32
        %eq3A_438 = vector.broadcast %eq3A_437 : i32 to vector<16xi32>
        %eq3A_439 = arith.cmpi eq, %iota3A, %eq3A_438 : vector<16xi32>
        %jit3A_440 = arith.constant 0 : i32
        %broadcast_in_dim3A_441 = vector.broadcast %jit3A_440 : i32 to vector<16xi32>
        %select_n3A_442 = arith.select %eq3A_439, %all_reduce_population_count3A_436, %broadcast_in_dim3A_441 : vector<16xi1>, vector<16xi32>
        %add3A_443 = arith.addi %add3A_427, %select_n3A_442 : vector<16xi32>
        %gt3A = arith.constant 0 : i32
        %gt3A_444 = vector.broadcast %gt3A : i32 to vector<16xi32>
        %gt3A_445 = arith.cmpi sgt, %add3A_443, %gt3A_444 : vector<16xi32>
        %jit3A_446 = arith.constant 1 : i32
        %jit3A_447 = arith.constant 0 : i32
        %broadcast_in_dim3A_448 = vector.broadcast %jit3A_446 : i32 to vector<16xi32>
        %broadcast_in_dim3A_449 = vector.broadcast %jit3A_447 : i32 to vector<16xi32>
        %select_n3A_450 = arith.select %gt3A_445, %broadcast_in_dim3A_448, %broadcast_in_dim3A_449 : vector<16xi1>, vector<16xi32>
        %broadcast_in_dim3A_451 = arith.constant true
        %broadcast_in_dim3A_452 = vector.broadcast %broadcast_in_dim3A_451 : i1 to vector<16xi1>
        %masked_cumsum3A = tpu.scan <sum>, %select_n3A_450 masked %broadcast_in_dim3A_452 : vector<16xi32>, vector<16xi1> -> vector<16xi32>
        %add3A_453 = arith.addi %scan3A_188, %masked_cumsum3A : vector<16xi32>
        %sub3A_454 = arith.constant 1 : i32
        %sub3A_455 = vector.broadcast %sub3A_454 : i32 to vector<16xi32>
        %sub3A_456 = arith.subi %add3A_453, %sub3A_455 : vector<16xi32>
        %mul3A_457 = arith.constant 16 : i32
        %mul3A_458 = arith.muli %scan3A_187, %mul3A_457 : i32
        %add3A_459 = vector.broadcast %mul3A_458 : i32 to vector<16xi32>
        %add3A_460 = arith.addi %add3A_459, %iota3A : vector<16xi32>
        tpu.vector_store_idx %arg11[%sub3A_456], %add3A_460 masked %gt3A_445 : memref<256xi32, #tpu.memory_space<vmem>>[vector<16xi32>], vector<16xi32>, vector<16xi1>
        %all_reduce_population_count3A_461 = tpu.all_reduce %gt3A_445 {dim = 0 : i64, kind = #tpu.reduction_kind<sum>} : vector<16xi1> -> vector<16xi32>
        %add3A_462 = arith.addi %scan3A_188, %all_reduce_population_count3A_461 : vector<16xi32>
        scf.yield %add3A_462 : vector<16xi32>
      }
      %scan3A_85 = arith.constant 16 : i32
      %reduce_max3A = arith.constant true
      %reduce_max3A_86 = vector.broadcast %reduce_max3A : i1 to vector<16xi1>
      %reduce_max3A_87 = arith.constant -2147483648 : i32
      %reduce_max3A_88 = vector.broadcast %reduce_max3A_87 : i32 to vector<16xi32>
      %reduce_max3A_89 = arith.xori %scan3A_84, %reduce_max3A_88 : vector<16xi32>
      %reduce_max3A_90 = tpu.scan <max>, %reduce_max3A_89 masked %reduce_max3A_86 : vector<16xi32>, vector<16xi1> -> vector<16xi32>
      %reduce_max3A_91 = arith.xori %reduce_max3A_90, %reduce_max3A_88 : vector<16xi32>
      %reduce_max3A_92 = vector.extract %reduce_max3A_91[15] : i32 from vector<16xi32>
      %broadcast_in_dim3A_93 = arith.constant 0 : i32
      %broadcast_in_dim3A_94 = vector.broadcast %broadcast_in_dim3A_93 : i32 to vector<16xi32>
      %while3A = arith.constant 0 : i32
      %while3A_95 = arith.subi %reduce_max3A_92, %while3A : i32
      %while3A_96 = arith.addi %while3A, %while3A_95 : i32
      %while3A_97 = arith.constant 1 : i32
      %while3A_98 = arith.divsi %while3A_95, %while3A_97 : i32
      %while3A_99 = arith.muli %while3A_98, %while3A_97 : i32
      %while3A_100 = arith.addi %while3A, %while3A_99 : i32
      %while3A_101 = arith.constant 1 : i32
      %while3A_102 = scf.for %while3A_187 = %while3A to %while3A_100 step %while3A_101 iter_args(%while3A_188 = %broadcast_in_dim3A_94) -> (vector<16xi32>)  : i32 {
        %broadcast_in_dim3A_189 = vector.broadcast %while3A_187 : i32 to vector<16xi32>
        %gather3A = tpu.vector_load_idx %arg11[%broadcast_in_dim3A_189] : memref<256xi32, #tpu.memory_space<vmem>>[vector<16xi32>], vector<16xi32>,
        %mul3A_190 = arith.constant 16 : i32
        %mul3A_191 = vector.broadcast %mul3A_190 : i32 to vector<16xi32>
        %mul3A_192 = arith.muli %gather3A, %mul3A_191 : vector<16xi32>
        %add3A_193 = arith.addi %mul3A_192, %iota3A : vector<16xi32>
        %gather3A_194 = arith.constant 0 : i32
        %gather3A_195 = tpu.memref_slice %arg8[%rem3A_60, %gather3A_194] : memref<2x4096xf32, #tpu.memory_space<vmem>> -> memref<1x4096xf32, #tpu.memory_space<vmem>>
        %gather3A_196 = tpu.memref_squeeze %gather3A_195 : memref<1x4096xf32, #tpu.memory_space<vmem>> -> memref<4096xf32, #tpu.memory_space<vmem>>
        %gather3A_197 = tpu.vector_load_idx %gather3A_196[%add3A_193] : memref<4096xf32, #tpu.memory_space<vmem>>[vector<16xi32>], vector<16xf32>,
        %le3A = arith.cmpf ole, %gather3A_197, %get3A_78 : vector<16xf32>
        %jit3A_198 = arith.constant 1 : i32
        %jit3A_199 = arith.constant 0 : i32
        %broadcast_in_dim3A_200 = vector.broadcast %jit3A_198 : i32 to vector<16xi32>
        %broadcast_in_dim3A_201 = vector.broadcast %jit3A_199 : i32 to vector<16xi32>
        %select_n3A_202 = arith.select %le3A, %broadcast_in_dim3A_200, %broadcast_in_dim3A_201 : vector<16xi1>, vector<16xi32>
        %broadcast_in_dim3A_203 = arith.constant true
        %broadcast_in_dim3A_204 = vector.broadcast %broadcast_in_dim3A_203 : i1 to vector<16xi1>
        %masked_cumsum3A = tpu.scan <sum>, %select_n3A_202 masked %broadcast_in_dim3A_204 : vector<16xi32>, vector<16xi1> -> vector<16xi32>
        %add3A_205 = arith.addi %while3A_188, %masked_cumsum3A : vector<16xi32>
        %sub3A_206 = arith.constant 1 : i32
        %sub3A_207 = vector.broadcast %sub3A_206 : i32 to vector<16xi32>
        %sub3A_208 = arith.subi %add3A_205, %sub3A_207 : vector<16xi32>
        tpu.vector_store_idx %arg9[%sub3A_208], %gather3A_197 masked %le3A : memref<4096xf32, #tpu.memory_space<vmem>>[vector<16xi32>], vector<16xf32>, vector<16xi1>
        tpu.vector_store_idx %arg10[%sub3A_208], %add3A_193 masked %le3A : memref<4096xi32, #tpu.memory_space<vmem>>[vector<16xi32>], vector<16xi32>, vector<16xi1>
        %all_reduce_population_count3A = tpu.all_reduce %le3A {dim = 0 : i64, kind = #tpu.reduction_kind<sum>} : vector<16xi1> -> vector<16xi32>
        %add3A_209 = arith.addi %while3A_188, %all_reduce_population_count3A : vector<16xi32>
        scf.yield %add3A_209 : vector<16xi32>
      }
      %while3A_103 = arith.constant 1 : i32
      %while3A_104 = scf.for %while3A_187 = %while3A_100 to %while3A_96 step %while3A_103 iter_args(%while3A_188 = %while3A_102) -> (vector<16xi32>)  : i32 {
        %broadcast_in_dim3A_189 = vector.broadcast %while3A_187 : i32 to vector<16xi32>
        %gather3A = tpu.vector_load_idx %arg11[%broadcast_in_dim3A_189] : memref<256xi32, #tpu.memory_space<vmem>>[vector<16xi32>], vector<16xi32>,
        %mul3A_190 = arith.constant 16 : i32
        %mul3A_191 = vector.broadcast %mul3A_190 : i32 to vector<16xi32>
        %mul3A_192 = arith.muli %gather3A, %mul3A_191 : vector<16xi32>
        %add3A_193 = arith.addi %mul3A_192, %iota3A : vector<16xi32>
        %gather3A_194 = arith.constant 0 : i32
        %gather3A_195 = tpu.memref_slice %arg8[%rem3A_60, %gather3A_194] : memref<2x4096xf32, #tpu.memory_space<vmem>> -> memref<1x4096xf32, #tpu.memory_space<vmem>>
        %gather3A_196 = tpu.memref_squeeze %gather3A_195 : memref<1x4096xf32, #tpu.memory_space<vmem>> -> memref<4096xf32, #tpu.memory_space<vmem>>
        %gather3A_197 = tpu.vector_load_idx %gather3A_196[%add3A_193] : memref<4096xf32, #tpu.memory_space<vmem>>[vector<16xi32>], vector<16xf32>,
        %le3A = arith.cmpf ole, %gather3A_197, %get3A_78 : vector<16xf32>
        %jit3A_198 = arith.constant 1 : i32
        %jit3A_199 = arith.constant 0 : i32
        %broadcast_in_dim3A_200 = vector.broadcast %jit3A_198 : i32 to vector<16xi32>
        %broadcast_in_dim3A_201 = vector.broadcast %jit3A_199 : i32 to vector<16xi32>
        %select_n3A_202 = arith.select %le3A, %broadcast_in_dim3A_200, %broadcast_in_dim3A_201 : vector<16xi1>, vector<16xi32>
        %broadcast_in_dim3A_203 = arith.constant true
        %broadcast_in_dim3A_204 = vector.broadcast %broadcast_in_dim3A_203 : i1 to vector<16xi1>
        %masked_cumsum3A = tpu.scan <sum>, %select_n3A_202 masked %broadcast_in_dim3A_204 : vector<16xi32>, vector<16xi1> -> vector<16xi32>
        %add3A_205 = arith.addi %while3A_188, %masked_cumsum3A : vector<16xi32>
        %sub3A_206 = arith.constant 1 : i32
        %sub3A_207 = vector.broadcast %sub3A_206 : i32 to vector<16xi32>
        %sub3A_208 = arith.subi %add3A_205, %sub3A_207 : vector<16xi32>
        tpu.vector_store_idx %arg9[%sub3A_208], %gather3A_197 masked %le3A : memref<4096xf32, #tpu.memory_space<vmem>>[vector<16xi32>], vector<16xf32>, vector<16xi1>
        tpu.vector_store_idx %arg10[%sub3A_208], %add3A_193 masked %le3A : memref<4096xi32, #tpu.memory_space<vmem>>[vector<16xi32>], vector<16xi32>, vector<16xi1>
        %all_reduce_population_count3A = tpu.all_reduce %le3A {dim = 0 : i64, kind = #tpu.reduction_kind<sum>} : vector<16xi1> -> vector<16xi32>
        %add3A_209 = arith.addi %while3A_188, %all_reduce_population_count3A : vector<16xi32>
        scf.yield %add3A_209 : vector<16xi32>
      }
      %reduce_max3A_105 = arith.constant true
      %reduce_max3A_106 = vector.broadcast %reduce_max3A_105 : i1 to vector<16xi1>
      %reduce_max3A_107 = arith.constant -2147483648 : i32
      %reduce_max3A_108 = vector.broadcast %reduce_max3A_107 : i32 to vector<16xi32>
      %reduce_max3A_109 = arith.xori %while3A_104, %reduce_max3A_108 : vector<16xi32>
      %reduce_max3A_110 = tpu.scan <max>, %reduce_max3A_109 masked %reduce_max3A_106 : vector<16xi32>, vector<16xi1> -> vector<16xi32>
      %reduce_max3A_111 = arith.xori %reduce_max3A_110, %reduce_max3A_108 : vector<16xi32>
      %reduce_max3A_112 = vector.extract %reduce_max3A_111[15] : i32 from vector<16xi32>
      %add3A_113 = arith.constant 15 : i32
      %add3A_114 = arith.addi %reduce_max3A_112, %add3A_113 : i32
      %jit3A_115 = arith.constant 16 : i32
      %div3A_116 = arith.divsi %add3A_114, %jit3A_115 : i32
      %sign3A_117 = arith.constant 0 : i32
      %sign3A_118 = arith.cmpi sgt, %add3A_114, %sign3A_117 : i32
      %sign3A_119 = arith.extui %sign3A_118 : i1 to i32
      %sign3A_120 = arith.constant 0 : i32
      %sign3A_121 = arith.cmpi slt, %add3A_114, %sign3A_120 : i32
      %sign3A_122 = arith.extui %sign3A_121 : i1 to i32
      %sign3A_123 = arith.subi %sign3A_119, %sign3A_122 : i32
      %sign3A_124 = arith.constant 0 : i32
      %sign3A_125 = arith.cmpi sgt, %jit3A_115, %sign3A_124 : i32
      %sign3A_126 = arith.extui %sign3A_125 : i1 to i32
      %sign3A_127 = arith.constant 0 : i32
      %sign3A_128 = arith.cmpi slt, %jit3A_115, %sign3A_127 : i32
      %sign3A_129 = arith.extui %sign3A_128 : i1 to i32
      %sign3A_130 = arith.subi %sign3A_126, %sign3A_129 : i32
      %ne3A_131 = arith.cmpi ne, %sign3A_123, %sign3A_130 : i32
      %rem3A_132 = arith.remsi %add3A_114, %jit3A_115 : i32
      %ne3A_133 = arith.constant 0 : i32
      %ne3A_134 = arith.cmpi ne, %rem3A_132, %ne3A_133 : i32
      %and3A_135 = arith.andi %ne3A_131, %ne3A_134 : i1
      %sub3A_136 = arith.constant 1 : i32
      %sub3A_137 = arith.subi %div3A_116, %sub3A_136 : i32
      %select_n3A_138 = arith.select %and3A_135, %sub3A_137, %div3A_116 : i32
      %broadcast_in_dim3A_139 = arith.constant 3.000000e+38 : f32
      %broadcast_in_dim3A_140 = vector.broadcast %broadcast_in_dim3A_139 : f32 to vector<16xf32>
      %broadcast_in_dim3A_141 = arith.constant 0 : i32
      %broadcast_in_dim3A_142 = vector.broadcast %broadcast_in_dim3A_141 : i32 to vector<16xi32>
      %while3A_143 = arith.constant 0 : i32
      %while3A_144 = arith.subi %select_n3A_138, %while3A_143 : i32
      %while3A_145 = arith.addi %while3A_143, %while3A_144 : i32
      %while3A_146 = arith.constant 1 : i32
      %while3A_147 = arith.divsi %while3A_144, %while3A_146 : i32
      %while3A_148 = arith.muli %while3A_147, %while3A_146 : i32
      %while3A_149 = arith.addi %while3A_143, %while3A_148 : i32
      %while3A_150 = arith.constant 1 : i32
      %while3A_151:2 = scf.for %while3A_187 = %while3A_143 to %while3A_149 step %while3A_150 iter_args(%while3A_188 = %broadcast_in_dim3A_140, %while3A_189 = %broadcast_in_dim3A_142) -> (vector<16xf32>, vector<16xi32>)  : i32 {
        %mul3A_190 = arith.constant 16 : i32
        %mul3A_191 = arith.muli %while3A_187, %mul3A_190 : i32
        %get3A_192 = arith.index_cast %mul3A_191 : i32 to index
        %get3A_193 = tpu.vector_load %arg9[%get3A_192] {strides = array<i32>} : memref<4096xf32, #tpu.memory_space<vmem>>, vector<16xf32>,
        %mul3A_194 = arith.constant 16 : i32
        %mul3A_195 = arith.muli %while3A_187, %mul3A_194 : i32
        %get3A_196 = arith.index_cast %mul3A_195 : i32 to index
        %get3A_197 = tpu.vector_load %arg10[%get3A_196] {strides = array<i32>} : memref<4096xi32, #tpu.memory_space<vmem>>, vector<16xi32>,
        %mul3A_198 = arith.constant 16 : i32
        %mul3A_199 = arith.muli %while3A_187, %mul3A_198 : i32
        %add3A_200 = vector.broadcast %mul3A_199 : i32 to vector<16xi32>
        %add3A_201 = arith.addi %iota3A, %add3A_200 : vector<16xi32>
        %lt3A_202 = arith.cmpi slt, %add3A_201, %while3A_104 : vector<16xi32>
        %jit3A_203 = arith.constant 3.000000e+38 : f32
        %broadcast_in_dim3A_204 = vector.broadcast %jit3A_203 : f32 to vector<16xf32>
        %select_n3A_205 = arith.select %lt3A_202, %get3A_193, %broadcast_in_dim3A_204 : vector<16xi1>, vector<16xf32>
        %masked_sort3A = arith.constant dense<true> : vector<16xi1>
        %masked_sort3A_206, %masked_sort3A_207, %masked_sort3A_208 = tpu.sort %select_n3A_205, %get3A_197 masked %masked_sort3A : (vector<16xf32>, vector<16xi32>, vector<16xi1>) -> (vector<16xi1>, vector<16xf32>, vector<16xi32>)
        %rev3A = arith.constant 15 : i32
        %rev3A_209 = vector.broadcast %rev3A : i32 to vector<16xi32>
        %rev3A_210 = tpu.iota {dimensions = array<i32: 0>} : vector<16xi32>
        %rev3A_211 = arith.subi %rev3A_209, %rev3A_210 : vector<16xi32>
        %rev3A_212 = tpu.dynamic_gather %masked_sort3A_207[%rev3A_211] in [0] : vector<16xf32>, vector<16xi32> -> vector<16xf32>
        %rev3A_213 = arith.constant 15 : i32
        %rev3A_214 = vector.broadcast %rev3A_213 : i32 to vector<16xi32>
        %rev3A_215 = tpu.iota {dimensions = array<i32: 0>} : vector<16xi32>
        %rev3A_216 = arith.subi %rev3A_214, %rev3A_215 : vector<16xi32>
        %rev3A_217 = tpu.dynamic_gather %masked_sort3A_208[%rev3A_216] in [0] : vector<16xi32>, vector<16xi32> -> vector<16xi32>
        %lt3A_218 = arith.cmpf olt, %rev3A_212, %while3A_188 : vector<16xf32>
        %select_n3A_219 = arith.select %lt3A_218, %rev3A_212, %while3A_188 : vector<16xi1>, vector<16xf32>
        %select_n3A_220 = arith.select %lt3A_218, %rev3A_217, %while3A_189 : vector<16xi1>, vector<16xi32>
        %masked_sort3A_221 = arith.constant dense<true> : vector<16xi1>
        %masked_sort3A_222, %masked_sort3A_223, %masked_sort3A_224 = tpu.sort %select_n3A_219, %select_n3A_220 masked %masked_sort3A_221 : (vector<16xf32>, vector<16xi32>, vector<16xi1>) -> (vector<16xi1>, vector<16xf32>, vector<16xi32>)
        scf.yield %masked_sort3A_223, %masked_sort3A_224 : vector<16xf32>, vector<16xi32>
      }
      %while3A_152 = arith.constant 1 : i32
      %while3A_153:2 = scf.for %while3A_187 = %while3A_149 to %while3A_145 step %while3A_152 iter_args(%while3A_188 = %while3A_151#0, %while3A_189 = %while3A_151#1) -> (vector<16xf32>, vector<16xi32>)  : i32 {
        %mul3A_190 = arith.constant 16 : i32
        %mul3A_191 = arith.muli %while3A_187, %mul3A_190 : i32
        %get3A_192 = arith.index_cast %mul3A_191 : i32 to index
        %get3A_193 = tpu.vector_load %arg9[%get3A_192] {strides = array<i32>} : memref<4096xf32, #tpu.memory_space<vmem>>, vector<16xf32>,
        %mul3A_194 = arith.constant 16 : i32
        %mul3A_195 = arith.muli %while3A_187, %mul3A_194 : i32
        %get3A_196 = arith.index_cast %mul3A_195 : i32 to index
        %get3A_197 = tpu.vector_load %arg10[%get3A_196] {strides = array<i32>} : memref<4096xi32, #tpu.memory_space<vmem>>, vector<16xi32>,
        %mul3A_198 = arith.constant 16 : i32
        %mul3A_199 = arith.muli %while3A_187, %mul3A_198 : i32
        %add3A_200 = vector.broadcast %mul3A_199 : i32 to vector<16xi32>
        %add3A_201 = arith.addi %iota3A, %add3A_200 : vector<16xi32>
        %lt3A_202 = arith.cmpi slt, %add3A_201, %while3A_104 : vector<16xi32>
        %jit3A_203 = arith.constant 3.000000e+38 : f32
        %broadcast_in_dim3A_204 = vector.broadcast %jit3A_203 : f32 to vector<16xf32>
        %select_n3A_205 = arith.select %lt3A_202, %get3A_193, %broadcast_in_dim3A_204 : vector<16xi1>, vector<16xf32>
        %masked_sort3A = arith.constant dense<true> : vector<16xi1>
        %masked_sort3A_206, %masked_sort3A_207, %masked_sort3A_208 = tpu.sort %select_n3A_205, %get3A_197 masked %masked_sort3A : (vector<16xf32>, vector<16xi32>, vector<16xi1>) -> (vector<16xi1>, vector<16xf32>, vector<16xi32>)
        %rev3A = arith.constant 15 : i32
        %rev3A_209 = vector.broadcast %rev3A : i32 to vector<16xi32>
        %rev3A_210 = tpu.iota {dimensions = array<i32: 0>} : vector<16xi32>
        %rev3A_211 = arith.subi %rev3A_209, %rev3A_210 : vector<16xi32>
        %rev3A_212 = tpu.dynamic_gather %masked_sort3A_207[%rev3A_211] in [0] : vector<16xf32>, vector<16xi32> -> vector<16xf32>
        %rev3A_213 = arith.constant 15 : i32
        %rev3A_214 = vector.broadcast %rev3A_213 : i32 to vector<16xi32>
        %rev3A_215 = tpu.iota {dimensions = array<i32: 0>} : vector<16xi32>
        %rev3A_216 = arith.subi %rev3A_214, %rev3A_215 : vector<16xi32>
        %rev3A_217 = tpu.dynamic_gather %masked_sort3A_208[%rev3A_216] in [0] : vector<16xi32>, vector<16xi32> -> vector<16xi32>
        %lt3A_218 = arith.cmpf olt, %rev3A_212, %while3A_188 : vector<16xf32>
        %select_n3A_219 = arith.select %lt3A_218, %rev3A_212, %while3A_188 : vector<16xi1>, vector<16xf32>
        %select_n3A_220 = arith.select %lt3A_218, %rev3A_217, %while3A_189 : vector<16xi1>, vector<16xi32>
        %masked_sort3A_221 = arith.constant dense<true> : vector<16xi1>
        %masked_sort3A_222, %masked_sort3A_223, %masked_sort3A_224 = tpu.sort %select_n3A_219, %select_n3A_220 masked %masked_sort3A_221 : (vector<16xf32>, vector<16xi32>, vector<16xi1>) -> (vector<16xi1>, vector<16xf32>, vector<16xi32>)
        scf.yield %masked_sort3A_223, %masked_sort3A_224 : vector<16xf32>, vector<16xi32>
      }
      %add3A_154 = arith.addi %mul3A_2, %scan3A_57 : i32
      %jit3A_155 = arith.constant 1024 : i32
      %div3A_156 = arith.divsi %add3A_154, %jit3A_155 : i32
      %sign3A_157 = arith.constant 0 : i32
      %sign3A_158 = arith.cmpi sgt, %add3A_154, %sign3A_157 : i32
      %sign3A_159 = arith.extui %sign3A_158 : i1 to i32
      %sign3A_160 = arith.constant 0 : i32
      %sign3A_161 = arith.cmpi slt, %add3A_154, %sign3A_160 : i32
      %sign3A_162 = arith.extui %sign3A_161 : i1 to i32
      %sign3A_163 = arith.subi %sign3A_159, %sign3A_162 : i32
      %sign3A_164 = arith.constant 0 : i32
      %sign3A_165 = arith.cmpi sgt, %jit3A_155, %sign3A_164 : i32
      %sign3A_166 = arith.extui %sign3A_165 : i1 to i32
      %sign3A_167 = arith.constant 0 : i32
      %sign3A_168 = arith.cmpi slt, %jit3A_155, %sign3A_167 : i32
      %sign3A_169 = arith.extui %sign3A_168 : i1 to i32
      %sign3A_170 = arith.subi %sign3A_166, %sign3A_169 : i32
      %ne3A_171 = arith.cmpi ne, %sign3A_163, %sign3A_170 : i32
      %rem3A_172 = arith.remsi %add3A_154, %jit3A_155 : i32
      %ne3A_173 = arith.constant 0 : i32
      %ne3A_174 = arith.cmpi ne, %rem3A_172, %ne3A_173 : i32
      %and3A_175 = arith.andi %ne3A_171, %ne3A_174 : i1
      %sub3A_176 = arith.constant 1 : i32
      %sub3A_177 = arith.subi %div3A_156, %sub3A_176 : i32
      %select_n3A_178 = arith.select %and3A_175, %sub3A_177, %div3A_156 : i32
      %mul3A_179 = arith.constant 4096 : i32
      %mul3A_180 = arith.muli %select_n3A_178, %mul3A_179 : i32
      %add3A_181 = vector.broadcast %mul3A_180 : i32 to vector<16xi32>
      %add3A_182 = arith.addi %while3A_153#1, %add3A_181 : vector<16xi32>
      %mul3A_183 = arith.constant 16 : i32
      %mul3A_184 = arith.muli %scan3A_57, %mul3A_183 : i32
      %swap3A = arith.index_cast %mul3A_184 : i32 to index
      %swap3A_185 = tpu.vector_load %arg12[%swap3A] {strides = array<i32>} : memref<2048xi32, #tpu.memory_space<vmem>>, vector<16xi32>,
      tpu.vector_store %arg12[%swap3A], %add3A_182 {strides = array<i32>} : memref<2048xi32, #tpu.memory_space<vmem>>, vector<16xi32>,
      %scan3A_186 = arith.constant 0 : i32
      scf.yield %scan3A_186 : i32
    }
    %scan3A_39 = arith.constant 128 : i32
    %dma_start3A_40 = arith.constant 0 : i32
    %dma_start3A_41 = arith.constant 0 : i32
    %dma_start3A_42 = arith.constant 0 : i32
    %dma_start3A_43 = tpu.memref_slice %arg13[%dma_start3A_40, %dma_start3A_41, %dma_start3A_42] : memref<2x512x64xf32, #tpu.memory_space<vmem>> -> memref<1x512x64xf32, #tpu.memory_space<vmem>>
    %dma_start3A_44 = tpu.memref_squeeze %dma_start3A_43 : memref<1x512x64xf32, #tpu.memory_space<vmem>> -> memref<512x64xf32, #tpu.memory_space<vmem>>
    %dma_start3A_45 = arith.constant 0 : i32
    %dma_start3A_46 = tpu.memref_slice %arg12[%dma_start3A_45] : memref<2048xi32, #tpu.memory_space<vmem>> -> memref<512xi32, #tpu.memory_space<vmem>>
    %dma_start3A_47 = arith.constant 0 : i32
    %dma_start3A_48 = arith.constant 0 : i32
    %dma_start3A_49 = tpu.memref_slice %arg4[%dma_start3A_47, %dma_start3A_48] : memref<16384x64xf32, #tpu.memory_space<hbm>> -> memref<16384x64xf32, #tpu.memory_space<hbm>>
    tpu.enqueue_indirect_dma source(%dma_start3A_49 : memref<16384x64xf32, #tpu.memory_space<hbm>>) target(%dma_start3A_44 : memref<512x64xf32, #tpu.memory_space<vmem>>) offsets(%dma_start3A_46 : memref<512xi32, #tpu.memory_space<vmem>>) semaphore(%arg17 : memref<!tpu.dma_semaphore, #tpu.memory_space<semaphore_mem>>)
    %scan3A_50 = arith.constant 0 : i32
    %scan3A_51 = arith.constant 0 : i32
    %scan3A_52 = arith.constant 4 : i32
    %scan3A_53 = arith.addi %scan3A_51, %scan3A_52 : i32
    %scan3A_54 = arith.constant 1 : i32
    %scan3A_55 = scf.for %scan3A_57 = %scan3A_51 to %scan3A_53 step %scan3A_54 iter_args(%scan3A_58 = %scan3A_50) -> (i32)  : i32 {
      %rem3A_59 = arith.constant 2 : i32
      %rem3A_60 = arith.remsi %scan3A_57, %rem3A_59 : i32
      %mul3A_61 = arith.constant 32 : i32
      %mul3A_62 = arith.muli %scan3A_57, %mul3A_61 : i32
      %mul3A_63 = arith.constant 16 : i32
      %mul3A_64 = arith.muli %mul3A_62, %mul3A_63 : i32
      %dma_wait3A = arith.constant 0 : i32
      %dma_wait3A_65 = arith.constant 0 : i32
      %dma_wait3A_66 = tpu.memref_slice %arg13[%rem3A_60, %dma_wait3A, %dma_wait3A_65] : memref<2x512x64xf32, #tpu.memory_space<vmem>> -> memref<1x512x64xf32, #tpu.memory_space<vmem>>
      %dma_wait3A_67 = tpu.memref_squeeze %dma_wait3A_66 : memref<1x512x64xf32, #tpu.memory_space<vmem>> -> memref<512x64xf32, #tpu.memory_space<vmem>>
      %dma_wait3A_68 = tpu.memref_slice %arg12[%mul3A_64] : memref<2048xi32, #tpu.memory_space<vmem>> -> memref<512xi32, #tpu.memory_space<vmem>>
      %dma_wait3A_69 = arith.constant 0 : i32
      %dma_wait3A_70 = arith.constant 0 : i32
      %dma_wait3A_71 = tpu.memref_slice %arg4[%dma_wait3A_69, %dma_wait3A_70] : memref<16384x64xf32, #tpu.memory_space<hbm>> -> memref<16384x64xf32, #tpu.memory_space<hbm>>
      tpu.wait_indirect_dma semaphore(%arg17 : memref<!tpu.dma_semaphore, #tpu.memory_space<semaphore_mem>>) src(%dma_wait3A_71 : memref<16384x64xf32, #tpu.memory_space<hbm>>) dst(%dma_wait3A_67 : memref<512x64xf32, #tpu.memory_space<vmem>>)
      %add3A_72 = arith.constant 1 : i32
      %add3A_73 = arith.addi %scan3A_57, %add3A_72 : i32
      %lt3A = arith.constant 4 : i32
      %lt3A_74 = arith.cmpi slt, %add3A_73, %lt3A : i32
      %convert_element_type3A = arith.extui %lt3A_74 : i1 to i32
      %cond3A = arith.constant 0 : i32
      %cond3A_75 = arith.cmpi ne, %convert_element_type3A, %cond3A : i32
      scf.if %cond3A_75 {
        %add3A_84 = arith.constant 1 : i32
        %add3A_85 = arith.addi %scan3A_57, %add3A_84 : i32
        %mul3A_86 = arith.constant 32 : i32
        %mul3A_87 = arith.muli %add3A_85, %mul3A_86 : i32
        %mul3A_88 = arith.constant 16 : i32
        %mul3A_89 = arith.muli %mul3A_87, %mul3A_88 : i32
        %sub3A_90 = arith.constant 1 : i32
        %sub3A_91 = arith.subi %sub3A_90, %rem3A_60 : i32
        %dma_start3A_92 = arith.constant 0 : i32
        %dma_start3A_93 = arith.constant 0 : i32
        %dma_start3A_94 = tpu.memref_slice %arg13[%sub3A_91, %dma_start3A_92, %dma_start3A_93] : memref<2x512x64xf32, #tpu.memory_space<vmem>> -> memref<1x512x64xf32, #tpu.memory_space<vmem>>
        %dma_start3A_95 = tpu.memref_squeeze %dma_start3A_94 : memref<1x512x64xf32, #tpu.memory_space<vmem>> -> memref<512x64xf32, #tpu.memory_space<vmem>>
        %dma_start3A_96 = tpu.memref_slice %arg12[%mul3A_89] : memref<2048xi32, #tpu.memory_space<vmem>> -> memref<512xi32, #tpu.memory_space<vmem>>
        %dma_start3A_97 = arith.constant 0 : i32
        %dma_start3A_98 = arith.constant 0 : i32
        %dma_start3A_99 = tpu.memref_slice %arg4[%dma_start3A_97, %dma_start3A_98] : memref<16384x64xf32, #tpu.memory_space<hbm>> -> memref<16384x64xf32, #tpu.memory_space<hbm>>
        tpu.enqueue_indirect_dma source(%dma_start3A_99 : memref<16384x64xf32, #tpu.memory_space<hbm>>) target(%dma_start3A_95 : memref<512x64xf32, #tpu.memory_space<vmem>>) offsets(%dma_start3A_96 : memref<512xi32, #tpu.memory_space<vmem>>) semaphore(%arg17 : memref<!tpu.dma_semaphore, #tpu.memory_space<semaphore_mem>>)
      } else {
      }
      %scan3A_76 = arith.constant 0 : i32
      %scan3A_77 = arith.constant 0 : i32
      %scan3A_78 = arith.constant 32 : i32
      %scan3A_79 = arith.addi %scan3A_77, %scan3A_78 : i32
      %scan3A_80 = arith.constant 1 : i32
      %scan3A_81 = scf.for %scan3A_84 = %scan3A_77 to %scan3A_79 step %scan3A_80 iter_args(%scan3A_85 = %scan3A_76) -> (i32)  : i32 {
        %mul3A_86 = arith.constant 32 : i32
        %mul3A_87 = arith.muli %scan3A_57, %mul3A_86 : i32
        %add3A_88 = arith.addi %mul3A_87, %scan3A_84 : i32
        %mul3A_89 = arith.constant 16 : i32
        %mul3A_90 = arith.muli %scan3A_84, %mul3A_89 : i32
        %get3A = arith.index_cast %rem3A_60 : i32 to index
        %get3A_91 = arith.index_cast %mul3A_90 : i32 to index
        %get3A_92 = arith.constant 0 : index
        %get3A_93 = tpu.vector_load %arg13[%get3A, %get3A_91, %get3A_92] {strides = array<i32>} : memref<2x512x64xf32, #tpu.memory_space<vmem>>, vector<16xf32>,
        %mul3A_94 = arith.constant 16 : i32
        %mul3A_95 = arith.muli %scan3A_84, %mul3A_94 : i32
        %add3A_96 = arith.constant 1 : i32
        %add3A_97 = arith.addi %mul3A_95, %add3A_96 : i32
        %get3A_98 = arith.index_cast %rem3A_60 : i32 to index
        %get3A_99 = arith.index_cast %add3A_97 : i32 to index
        %get3A_100 = arith.constant 0 : index
        %get3A_101 = tpu.vector_load %arg13[%get3A_98, %get3A_99, %get3A_100] {strides = array<i32>} : memref<2x512x64xf32, #tpu.memory_space<vmem>>, vector<16xf32>,
        %max3A = arith.maximumf %get3A_93, %get3A_101 : vector<16xf32>
        %mul3A_102 = arith.constant 16 : i32
        %mul3A_103 = arith.muli %scan3A_84, %mul3A_102 : i32
        %add3A_104 = arith.constant 2 : i32
        %add3A_105 = arith.addi %mul3A_103, %add3A_104 : i32
        %get3A_106 = arith.index_cast %rem3A_60 : i32 to index
        %get3A_107 = arith.index_cast %add3A_105 : i32 to index
        %get3A_108 = arith.constant 0 : index
        %get3A_109 = tpu.vector_load %arg13[%get3A_106, %get3A_107, %get3A_108] {strides = array<i32>} : memref<2x512x64xf32, #tpu.memory_space<vmem>>, vector<16xf32>,
        %max3A_110 = arith.maximumf %max3A, %get3A_109 : vector<16xf32>
        %mul3A_111 = arith.constant 16 : i32
        %mul3A_112 = arith.muli %scan3A_84, %mul3A_111 : i32
        %add3A_113 = arith.constant 3 : i32
        %add3A_114 = arith.addi %mul3A_112, %add3A_113 : i32
        %get3A_115 = arith.index_cast %rem3A_60 : i32 to index
        %get3A_116 = arith.index_cast %add3A_114 : i32 to index
        %get3A_117 = arith.constant 0 : index
        %get3A_118 = tpu.vector_load %arg13[%get3A_115, %get3A_116, %get3A_117] {strides = array<i32>} : memref<2x512x64xf32, #tpu.memory_space<vmem>>, vector<16xf32>,
        %max3A_119 = arith.maximumf %max3A_110, %get3A_118 : vector<16xf32>
        %mul3A_120 = arith.constant 16 : i32
        %mul3A_121 = arith.muli %scan3A_84, %mul3A_120 : i32
        %add3A_122 = arith.constant 4 : i32
        %add3A_123 = arith.addi %mul3A_121, %add3A_122 : i32
        %get3A_124 = arith.index_cast %rem3A_60 : i32 to index
        %get3A_125 = arith.index_cast %add3A_123 : i32 to index
        %get3A_126 = arith.constant 0 : index
        %get3A_127 = tpu.vector_load %arg13[%get3A_124, %get3A_125, %get3A_126] {strides = array<i32>} : memref<2x512x64xf32, #tpu.memory_space<vmem>>, vector<16xf32>,
        %max3A_128 = arith.maximumf %max3A_119, %get3A_127 : vector<16xf32>
        %mul3A_129 = arith.constant 16 : i32
        %mul3A_130 = arith.muli %scan3A_84, %mul3A_129 : i32
        %add3A_131 = arith.constant 5 : i32
        %add3A_132 = arith.addi %mul3A_130, %add3A_131 : i32
        %get3A_133 = arith.index_cast %rem3A_60 : i32 to index
        %get3A_134 = arith.index_cast %add3A_132 : i32 to index
        %get3A_135 = arith.constant 0 : index
        %get3A_136 = tpu.vector_load %arg13[%get3A_133, %get3A_134, %get3A_135] {strides = array<i32>} : memref<2x512x64xf32, #tpu.memory_space<vmem>>, vector<16xf32>,
        %max3A_137 = arith.maximumf %max3A_128, %get3A_136 : vector<16xf32>
        %mul3A_138 = arith.constant 16 : i32
        %mul3A_139 = arith.muli %scan3A_84, %mul3A_138 : i32
        %add3A_140 = arith.constant 6 : i32
        %add3A_141 = arith.addi %mul3A_139, %add3A_140 : i32
        %get3A_142 = arith.index_cast %rem3A_60 : i32 to index
        %get3A_143 = arith.index_cast %add3A_141 : i32 to index
        %get3A_144 = arith.constant 0 : index
        %get3A_145 = tpu.vector_load %arg13[%get3A_142, %get3A_143, %get3A_144] {strides = array<i32>} : memref<2x512x64xf32, #tpu.memory_space<vmem>>, vector<16xf32>,
        %max3A_146 = arith.maximumf %max3A_137, %get3A_145 : vector<16xf32>
        %mul3A_147 = arith.constant 16 : i32
        %mul3A_148 = arith.muli %scan3A_84, %mul3A_147 : i32
        %add3A_149 = arith.constant 7 : i32
        %add3A_150 = arith.addi %mul3A_148, %add3A_149 : i32
        %get3A_151 = arith.index_cast %rem3A_60 : i32 to index
        %get3A_152 = arith.index_cast %add3A_150 : i32 to index
        %get3A_153 = arith.constant 0 : index
        %get3A_154 = tpu.vector_load %arg13[%get3A_151, %get3A_152, %get3A_153] {strides = array<i32>} : memref<2x512x64xf32, #tpu.memory_space<vmem>>, vector<16xf32>,
        %max3A_155 = arith.maximumf %max3A_146, %get3A_154 : vector<16xf32>
        %mul3A_156 = arith.constant 16 : i32
        %mul3A_157 = arith.muli %scan3A_84, %mul3A_156 : i32
        %add3A_158 = arith.constant 8 : i32
        %add3A_159 = arith.addi %mul3A_157, %add3A_158 : i32
        %get3A_160 = arith.index_cast %rem3A_60 : i32 to index
        %get3A_161 = arith.index_cast %add3A_159 : i32 to index
        %get3A_162 = arith.constant 0 : index
        %get3A_163 = tpu.vector_load %arg13[%get3A_160, %get3A_161, %get3A_162] {strides = array<i32>} : memref<2x512x64xf32, #tpu.memory_space<vmem>>, vector<16xf32>,
        %max3A_164 = arith.maximumf %max3A_155, %get3A_163 : vector<16xf32>
        %mul3A_165 = arith.constant 16 : i32
        %mul3A_166 = arith.muli %scan3A_84, %mul3A_165 : i32
        %add3A_167 = arith.constant 9 : i32
        %add3A_168 = arith.addi %mul3A_166, %add3A_167 : i32
        %get3A_169 = arith.index_cast %rem3A_60 : i32 to index
        %get3A_170 = arith.index_cast %add3A_168 : i32 to index
        %get3A_171 = arith.constant 0 : index
        %get3A_172 = tpu.vector_load %arg13[%get3A_169, %get3A_170, %get3A_171] {strides = array<i32>} : memref<2x512x64xf32, #tpu.memory_space<vmem>>, vector<16xf32>,
        %max3A_173 = arith.maximumf %max3A_164, %get3A_172 : vector<16xf32>
        %mul3A_174 = arith.constant 16 : i32
        %mul3A_175 = arith.muli %scan3A_84, %mul3A_174 : i32
        %add3A_176 = arith.constant 10 : i32
        %add3A_177 = arith.addi %mul3A_175, %add3A_176 : i32
        %get3A_178 = arith.index_cast %rem3A_60 : i32 to index
        %get3A_179 = arith.index_cast %add3A_177 : i32 to index
        %get3A_180 = arith.constant 0 : index
        %get3A_181 = tpu.vector_load %arg13[%get3A_178, %get3A_179, %get3A_180] {strides = array<i32>} : memref<2x512x64xf32, #tpu.memory_space<vmem>>, vector<16xf32>,
        %max3A_182 = arith.maximumf %max3A_173, %get3A_181 : vector<16xf32>
        %mul3A_183 = arith.constant 16 : i32
        %mul3A_184 = arith.muli %scan3A_84, %mul3A_183 : i32
        %add3A_185 = arith.constant 11 : i32
        %add3A_186 = arith.addi %mul3A_184, %add3A_185 : i32
        %get3A_187 = arith.index_cast %rem3A_60 : i32 to index
        %get3A_188 = arith.index_cast %add3A_186 : i32 to index
        %get3A_189 = arith.constant 0 : index
        %get3A_190 = tpu.vector_load %arg13[%get3A_187, %get3A_188, %get3A_189] {strides = array<i32>} : memref<2x512x64xf32, #tpu.memory_space<vmem>>, vector<16xf32>,
        %max3A_191 = arith.maximumf %max3A_182, %get3A_190 : vector<16xf32>
        %mul3A_192 = arith.constant 16 : i32
        %mul3A_193 = arith.muli %scan3A_84, %mul3A_192 : i32
        %add3A_194 = arith.constant 12 : i32
        %add3A_195 = arith.addi %mul3A_193, %add3A_194 : i32
        %get3A_196 = arith.index_cast %rem3A_60 : i32 to index
        %get3A_197 = arith.index_cast %add3A_195 : i32 to index
        %get3A_198 = arith.constant 0 : index
        %get3A_199 = tpu.vector_load %arg13[%get3A_196, %get3A_197, %get3A_198] {strides = array<i32>} : memref<2x512x64xf32, #tpu.memory_space<vmem>>, vector<16xf32>,
        %max3A_200 = arith.maximumf %max3A_191, %get3A_199 : vector<16xf32>
        %mul3A_201 = arith.constant 16 : i32
        %mul3A_202 = arith.muli %scan3A_84, %mul3A_201 : i32
        %add3A_203 = arith.constant 13 : i32
        %add3A_204 = arith.addi %mul3A_202, %add3A_203 : i32
        %get3A_205 = arith.index_cast %rem3A_60 : i32 to index
        %get3A_206 = arith.index_cast %add3A_204 : i32 to index
        %get3A_207 = arith.constant 0 : index
        %get3A_208 = tpu.vector_load %arg13[%get3A_205, %get3A_206, %get3A_207] {strides = array<i32>} : memref<2x512x64xf32, #tpu.memory_space<vmem>>, vector<16xf32>,
        %max3A_209 = arith.maximumf %max3A_200, %get3A_208 : vector<16xf32>
        %mul3A_210 = arith.constant 16 : i32
        %mul3A_211 = arith.muli %scan3A_84, %mul3A_210 : i32
        %add3A_212 = arith.constant 14 : i32
        %add3A_213 = arith.addi %mul3A_211, %add3A_212 : i32
        %get3A_214 = arith.index_cast %rem3A_60 : i32 to index
        %get3A_215 = arith.index_cast %add3A_213 : i32 to index
        %get3A_216 = arith.constant 0 : index
        %get3A_217 = tpu.vector_load %arg13[%get3A_214, %get3A_215, %get3A_216] {strides = array<i32>} : memref<2x512x64xf32, #tpu.memory_space<vmem>>, vector<16xf32>,
        %max3A_218 = arith.maximumf %max3A_209, %get3A_217 : vector<16xf32>
        %mul3A_219 = arith.constant 16 : i32
        %mul3A_220 = arith.muli %scan3A_84, %mul3A_219 : i32
        %add3A_221 = arith.constant 15 : i32
        %add3A_222 = arith.addi %mul3A_220, %add3A_221 : i32
        %get3A_223 = arith.index_cast %rem3A_60 : i32 to index
        %get3A_224 = arith.index_cast %add3A_222 : i32 to index
        %get3A_225 = arith.constant 0 : index
        %get3A_226 = tpu.vector_load %arg13[%get3A_223, %get3A_224, %get3A_225] {strides = array<i32>} : memref<2x512x64xf32, #tpu.memory_space<vmem>>, vector<16xf32>,
        %max3A_227 = arith.maximumf %max3A_218, %get3A_226 : vector<16xf32>
        %add3A_228 = arith.constant 0 : i32
        %add3A_229 = vector.broadcast %add3A_228 : i32 to vector<16xi32>
        %add3A_230 = arith.addi %add3A_229, %iota3A : vector<16xi32>
        %broadcast_in_dim3A = vector.broadcast %add3A_88 : i32 to vector<16xi32>
        tpu.vector_store_idx %arg14[%add3A_230, %broadcast_in_dim3A], %max3A_227 : memref<64x128xf32, #tpu.memory_space<vmem>>[vector<16xi32>, vector<16xi32>], vector<16xf32>,
        %mul3A_231 = arith.constant 16 : i32
        %mul3A_232 = arith.muli %scan3A_84, %mul3A_231 : i32
        %get3A_233 = arith.index_cast %rem3A_60 : i32 to index
        %get3A_234 = arith.index_cast %mul3A_232 : i32 to index
        %get3A_235 = arith.constant 16 : index
        %get3A_236 = tpu.vector_load %arg13[%get3A_233, %get3A_234, %get3A_235] {strides = array<i32>} : memref<2x512x64xf32, #tpu.memory_space<vmem>>, vector<16xf32>,
        %mul3A_237 = arith.constant 16 : i32
        %mul3A_238 = arith.muli %scan3A_84, %mul3A_237 : i32
        %add3A_239 = arith.constant 1 : i32
        %add3A_240 = arith.addi %mul3A_238, %add3A_239 : i32
        %get3A_241 = arith.index_cast %rem3A_60 : i32 to index
        %get3A_242 = arith.index_cast %add3A_240 : i32 to index
        %get3A_243 = arith.constant 16 : index
        %get3A_244 = tpu.vector_load %arg13[%get3A_241, %get3A_242, %get3A_243] {strides = array<i32>} : memref<2x512x64xf32, #tpu.memory_space<vmem>>, vector<16xf32>,
        %max3A_245 = arith.maximumf %get3A_236, %get3A_244 : vector<16xf32>
        %mul3A_246 = arith.constant 16 : i32
        %mul3A_247 = arith.muli %scan3A_84, %mul3A_246 : i32
        %add3A_248 = arith.constant 2 : i32
        %add3A_249 = arith.addi %mul3A_247, %add3A_248 : i32
        %get3A_250 = arith.index_cast %rem3A_60 : i32 to index
        %get3A_251 = arith.index_cast %add3A_249 : i32 to index
        %get3A_252 = arith.constant 16 : index
        %get3A_253 = tpu.vector_load %arg13[%get3A_250, %get3A_251, %get3A_252] {strides = array<i32>} : memref<2x512x64xf32, #tpu.memory_space<vmem>>, vector<16xf32>,
        %max3A_254 = arith.maximumf %max3A_245, %get3A_253 : vector<16xf32>
        %mul3A_255 = arith.constant 16 : i32
        %mul3A_256 = arith.muli %scan3A_84, %mul3A_255 : i32
        %add3A_257 = arith.constant 3 : i32
        %add3A_258 = arith.addi %mul3A_256, %add3A_257 : i32
        %get3A_259 = arith.index_cast %rem3A_60 : i32 to index
        %get3A_260 = arith.index_cast %add3A_258 : i32 to index
        %get3A_261 = arith.constant 16 : index
        %get3A_262 = tpu.vector_load %arg13[%get3A_259, %get3A_260, %get3A_261] {strides = array<i32>} : memref<2x512x64xf32, #tpu.memory_space<vmem>>, vector<16xf32>,
        %max3A_263 = arith.maximumf %max3A_254, %get3A_262 : vector<16xf32>
        %mul3A_264 = arith.constant 16 : i32
        %mul3A_265 = arith.muli %scan3A_84, %mul3A_264 : i32
        %add3A_266 = arith.constant 4 : i32
        %add3A_267 = arith.addi %mul3A_265, %add3A_266 : i32
        %get3A_268 = arith.index_cast %rem3A_60 : i32 to index
        %get3A_269 = arith.index_cast %add3A_267 : i32 to index
        %get3A_270 = arith.constant 16 : index
        %get3A_271 = tpu.vector_load %arg13[%get3A_268, %get3A_269, %get3A_270] {strides = array<i32>} : memref<2x512x64xf32, #tpu.memory_space<vmem>>, vector<16xf32>,
        %max3A_272 = arith.maximumf %max3A_263, %get3A_271 : vector<16xf32>
        %mul3A_273 = arith.constant 16 : i32
        %mul3A_274 = arith.muli %scan3A_84, %mul3A_273 : i32
        %add3A_275 = arith.constant 5 : i32
        %add3A_276 = arith.addi %mul3A_274, %add3A_275 : i32
        %get3A_277 = arith.index_cast %rem3A_60 : i32 to index
        %get3A_278 = arith.index_cast %add3A_276 : i32 to index
        %get3A_279 = arith.constant 16 : index
        %get3A_280 = tpu.vector_load %arg13[%get3A_277, %get3A_278, %get3A_279] {strides = array<i32>} : memref<2x512x64xf32, #tpu.memory_space<vmem>>, vector<16xf32>,
        %max3A_281 = arith.maximumf %max3A_272, %get3A_280 : vector<16xf32>
        %mul3A_282 = arith.constant 16 : i32
        %mul3A_283 = arith.muli %scan3A_84, %mul3A_282 : i32
        %add3A_284 = arith.constant 6 : i32
        %add3A_285 = arith.addi %mul3A_283, %add3A_284 : i32
        %get3A_286 = arith.index_cast %rem3A_60 : i32 to index
        %get3A_287 = arith.index_cast %add3A_285 : i32 to index
        %get3A_288 = arith.constant 16 : index
        %get3A_289 = tpu.vector_load %arg13[%get3A_286, %get3A_287, %get3A_288] {strides = array<i32>} : memref<2x512x64xf32, #tpu.memory_space<vmem>>, vector<16xf32>,
        %max3A_290 = arith.maximumf %max3A_281, %get3A_289 : vector<16xf32>
        %mul3A_291 = arith.constant 16 : i32
        %mul3A_292 = arith.muli %scan3A_84, %mul3A_291 : i32
        %add3A_293 = arith.constant 7 : i32
        %add3A_294 = arith.addi %mul3A_292, %add3A_293 : i32
        %get3A_295 = arith.index_cast %rem3A_60 : i32 to index
        %get3A_296 = arith.index_cast %add3A_294 : i32 to index
        %get3A_297 = arith.constant 16 : index
        %get3A_298 = tpu.vector_load %arg13[%get3A_295, %get3A_296, %get3A_297] {strides = array<i32>} : memref<2x512x64xf32, #tpu.memory_space<vmem>>, vector<16xf32>,
        %max3A_299 = arith.maximumf %max3A_290, %get3A_298 : vector<16xf32>
        %mul3A_300 = arith.constant 16 : i32
        %mul3A_301 = arith.muli %scan3A_84, %mul3A_300 : i32
        %add3A_302 = arith.constant 8 : i32
        %add3A_303 = arith.addi %mul3A_301, %add3A_302 : i32
        %get3A_304 = arith.index_cast %rem3A_60 : i32 to index
        %get3A_305 = arith.index_cast %add3A_303 : i32 to index
        %get3A_306 = arith.constant 16 : index
        %get3A_307 = tpu.vector_load %arg13[%get3A_304, %get3A_305, %get3A_306] {strides = array<i32>} : memref<2x512x64xf32, #tpu.memory_space<vmem>>, vector<16xf32>,
        %max3A_308 = arith.maximumf %max3A_299, %get3A_307 : vector<16xf32>
        %mul3A_309 = arith.constant 16 : i32
        %mul3A_310 = arith.muli %scan3A_84, %mul3A_309 : i32
        %add3A_311 = arith.constant 9 : i32
        %add3A_312 = arith.addi %mul3A_310, %add3A_311 : i32
        %get3A_313 = arith.index_cast %rem3A_60 : i32 to index
        %get3A_314 = arith.index_cast %add3A_312 : i32 to index
        %get3A_315 = arith.constant 16 : index
        %get3A_316 = tpu.vector_load %arg13[%get3A_313, %get3A_314, %get3A_315] {strides = array<i32>} : memref<2x512x64xf32, #tpu.memory_space<vmem>>, vector<16xf32>,
        %max3A_317 = arith.maximumf %max3A_308, %get3A_316 : vector<16xf32>
        %mul3A_318 = arith.constant 16 : i32
        %mul3A_319 = arith.muli %scan3A_84, %mul3A_318 : i32
        %add3A_320 = arith.constant 10 : i32
        %add3A_321 = arith.addi %mul3A_319, %add3A_320 : i32
        %get3A_322 = arith.index_cast %rem3A_60 : i32 to index
        %get3A_323 = arith.index_cast %add3A_321 : i32 to index
        %get3A_324 = arith.constant 16 : index
        %get3A_325 = tpu.vector_load %arg13[%get3A_322, %get3A_323, %get3A_324] {strides = array<i32>} : memref<2x512x64xf32, #tpu.memory_space<vmem>>, vector<16xf32>,
        %max3A_326 = arith.maximumf %max3A_317, %get3A_325 : vector<16xf32>
        %mul3A_327 = arith.constant 16 : i32
        %mul3A_328 = arith.muli %scan3A_84, %mul3A_327 : i32
        %add3A_329 = arith.constant 11 : i32
        %add3A_330 = arith.addi %mul3A_328, %add3A_329 : i32
        %get3A_331 = arith.index_cast %rem3A_60 : i32 to index
        %get3A_332 = arith.index_cast %add3A_330 : i32 to index
        %get3A_333 = arith.constant 16 : index
        %get3A_334 = tpu.vector_load %arg13[%get3A_331, %get3A_332, %get3A_333] {strides = array<i32>} : memref<2x512x64xf32, #tpu.memory_space<vmem>>, vector<16xf32>,
        %max3A_335 = arith.maximumf %max3A_326, %get3A_334 : vector<16xf32>
        %mul3A_336 = arith.constant 16 : i32
        %mul3A_337 = arith.muli %scan3A_84, %mul3A_336 : i32
        %add3A_338 = arith.constant 12 : i32
        %add3A_339 = arith.addi %mul3A_337, %add3A_338 : i32
        %get3A_340 = arith.index_cast %rem3A_60 : i32 to index
        %get3A_341 = arith.index_cast %add3A_339 : i32 to index
        %get3A_342 = arith.constant 16 : index
        %get3A_343 = tpu.vector_load %arg13[%get3A_340, %get3A_341, %get3A_342] {strides = array<i32>} : memref<2x512x64xf32, #tpu.memory_space<vmem>>, vector<16xf32>,
        %max3A_344 = arith.maximumf %max3A_335, %get3A_343 : vector<16xf32>
        %mul3A_345 = arith.constant 16 : i32
        %mul3A_346 = arith.muli %scan3A_84, %mul3A_345 : i32
        %add3A_347 = arith.constant 13 : i32
        %add3A_348 = arith.addi %mul3A_346, %add3A_347 : i32
        %get3A_349 = arith.index_cast %rem3A_60 : i32 to index
        %get3A_350 = arith.index_cast %add3A_348 : i32 to index
        %get3A_351 = arith.constant 16 : index
        %get3A_352 = tpu.vector_load %arg13[%get3A_349, %get3A_350, %get3A_351] {strides = array<i32>} : memref<2x512x64xf32, #tpu.memory_space<vmem>>, vector<16xf32>,
        %max3A_353 = arith.maximumf %max3A_344, %get3A_352 : vector<16xf32>
        %mul3A_354 = arith.constant 16 : i32
        %mul3A_355 = arith.muli %scan3A_84, %mul3A_354 : i32
        %add3A_356 = arith.constant 14 : i32
        %add3A_357 = arith.addi %mul3A_355, %add3A_356 : i32
        %get3A_358 = arith.index_cast %rem3A_60 : i32 to index
        %get3A_359 = arith.index_cast %add3A_357 : i32 to index
        %get3A_360 = arith.constant 16 : index
        %get3A_361 = tpu.vector_load %arg13[%get3A_358, %get3A_359, %get3A_360] {strides = array<i32>} : memref<2x512x64xf32, #tpu.memory_space<vmem>>, vector<16xf32>,
        %max3A_362 = arith.maximumf %max3A_353, %get3A_361 : vector<16xf32>
        %mul3A_363 = arith.constant 16 : i32
        %mul3A_364 = arith.muli %scan3A_84, %mul3A_363 : i32
        %add3A_365 = arith.constant 15 : i32
        %add3A_366 = arith.addi %mul3A_364, %add3A_365 : i32
        %get3A_367 = arith.index_cast %rem3A_60 : i32 to index
        %get3A_368 = arith.index_cast %add3A_366 : i32 to index
        %get3A_369 = arith.constant 16 : index
        %get3A_370 = tpu.vector_load %arg13[%get3A_367, %get3A_368, %get3A_369] {strides = array<i32>} : memref<2x512x64xf32, #tpu.memory_space<vmem>>, vector<16xf32>,
        %max3A_371 = arith.maximumf %max3A_362, %get3A_370 : vector<16xf32>
        %add3A_372 = arith.constant 16 : i32
        %add3A_373 = vector.broadcast %add3A_372 : i32 to vector<16xi32>
        %add3A_374 = arith.addi %add3A_373, %iota3A : vector<16xi32>
        %broadcast_in_dim3A_375 = vector.broadcast %add3A_88 : i32 to vector<16xi32>
        tpu.vector_store_idx %arg14[%add3A_374, %broadcast_in_dim3A_375], %max3A_371 : memref<64x128xf32, #tpu.memory_space<vmem>>[vector<16xi32>, vector<16xi32>], vector<16xf32>,
        %mul3A_376 = arith.constant 16 : i32
        %mul3A_377 = arith.muli %scan3A_84, %mul3A_376 : i32
        %get3A_378 = arith.index_cast %rem3A_60 : i32 to index
        %get3A_379 = arith.index_cast %mul3A_377 : i32 to index
        %get3A_380 = arith.constant 32 : index
        %get3A_381 = tpu.vector_load %arg13[%get3A_378, %get3A_379, %get3A_380] {strides = array<i32>} : memref<2x512x64xf32, #tpu.memory_space<vmem>>, vector<16xf32>,
        %mul3A_382 = arith.constant 16 : i32
        %mul3A_383 = arith.muli %scan3A_84, %mul3A_382 : i32
        %add3A_384 = arith.constant 1 : i32
        %add3A_385 = arith.addi %mul3A_383, %add3A_384 : i32
        %get3A_386 = arith.index_cast %rem3A_60 : i32 to index
        %get3A_387 = arith.index_cast %add3A_385 : i32 to index
        %get3A_388 = arith.constant 32 : index
        %get3A_389 = tpu.vector_load %arg13[%get3A_386, %get3A_387, %get3A_388] {strides = array<i32>} : memref<2x512x64xf32, #tpu.memory_space<vmem>>, vector<16xf32>,
        %max3A_390 = arith.maximumf %get3A_381, %get3A_389 : vector<16xf32>
        %mul3A_391 = arith.constant 16 : i32
        %mul3A_392 = arith.muli %scan3A_84, %mul3A_391 : i32
        %add3A_393 = arith.constant 2 : i32
        %add3A_394 = arith.addi %mul3A_392, %add3A_393 : i32
        %get3A_395 = arith.index_cast %rem3A_60 : i32 to index
        %get3A_396 = arith.index_cast %add3A_394 : i32 to index
        %get3A_397 = arith.constant 32 : index
        %get3A_398 = tpu.vector_load %arg13[%get3A_395, %get3A_396, %get3A_397] {strides = array<i32>} : memref<2x512x64xf32, #tpu.memory_space<vmem>>, vector<16xf32>,
        %max3A_399 = arith.maximumf %max3A_390, %get3A_398 : vector<16xf32>
        %mul3A_400 = arith.constant 16 : i32
        %mul3A_401 = arith.muli %scan3A_84, %mul3A_400 : i32
        %add3A_402 = arith.constant 3 : i32
        %add3A_403 = arith.addi %mul3A_401, %add3A_402 : i32
        %get3A_404 = arith.index_cast %rem3A_60 : i32 to index
        %get3A_405 = arith.index_cast %add3A_403 : i32 to index
        %get3A_406 = arith.constant 32 : index
        %get3A_407 = tpu.vector_load %arg13[%get3A_404, %get3A_405, %get3A_406] {strides = array<i32>} : memref<2x512x64xf32, #tpu.memory_space<vmem>>, vector<16xf32>,
        %max3A_408 = arith.maximumf %max3A_399, %get3A_407 : vector<16xf32>
        %mul3A_409 = arith.constant 16 : i32
        %mul3A_410 = arith.muli %scan3A_84, %mul3A_409 : i32
        %add3A_411 = arith.constant 4 : i32
        %add3A_412 = arith.addi %mul3A_410, %add3A_411 : i32
        %get3A_413 = arith.index_cast %rem3A_60 : i32 to index
        %get3A_414 = arith.index_cast %add3A_412 : i32 to index
        %get3A_415 = arith.constant 32 : index
        %get3A_416 = tpu.vector_load %arg13[%get3A_413, %get3A_414, %get3A_415] {strides = array<i32>} : memref<2x512x64xf32, #tpu.memory_space<vmem>>, vector<16xf32>,
        %max3A_417 = arith.maximumf %max3A_408, %get3A_416 : vector<16xf32>
        %mul3A_418 = arith.constant 16 : i32
        %mul3A_419 = arith.muli %scan3A_84, %mul3A_418 : i32
        %add3A_420 = arith.constant 5 : i32
        %add3A_421 = arith.addi %mul3A_419, %add3A_420 : i32
        %get3A_422 = arith.index_cast %rem3A_60 : i32 to index
        %get3A_423 = arith.index_cast %add3A_421 : i32 to index
        %get3A_424 = arith.constant 32 : index
        %get3A_425 = tpu.vector_load %arg13[%get3A_422, %get3A_423, %get3A_424] {strides = array<i32>} : memref<2x512x64xf32, #tpu.memory_space<vmem>>, vector<16xf32>,
        %max3A_426 = arith.maximumf %max3A_417, %get3A_425 : vector<16xf32>
        %mul3A_427 = arith.constant 16 : i32
        %mul3A_428 = arith.muli %scan3A_84, %mul3A_427 : i32
        %add3A_429 = arith.constant 6 : i32
        %add3A_430 = arith.addi %mul3A_428, %add3A_429 : i32
        %get3A_431 = arith.index_cast %rem3A_60 : i32 to index
        %get3A_432 = arith.index_cast %add3A_430 : i32 to index
        %get3A_433 = arith.constant 32 : index
        %get3A_434 = tpu.vector_load %arg13[%get3A_431, %get3A_432, %get3A_433] {strides = array<i32>} : memref<2x512x64xf32, #tpu.memory_space<vmem>>, vector<16xf32>,
        %max3A_435 = arith.maximumf %max3A_426, %get3A_434 : vector<16xf32>
        %mul3A_436 = arith.constant 16 : i32
        %mul3A_437 = arith.muli %scan3A_84, %mul3A_436 : i32
        %add3A_438 = arith.constant 7 : i32
        %add3A_439 = arith.addi %mul3A_437, %add3A_438 : i32
        %get3A_440 = arith.index_cast %rem3A_60 : i32 to index
        %get3A_441 = arith.index_cast %add3A_439 : i32 to index
        %get3A_442 = arith.constant 32 : index
        %get3A_443 = tpu.vector_load %arg13[%get3A_440, %get3A_441, %get3A_442] {strides = array<i32>} : memref<2x512x64xf32, #tpu.memory_space<vmem>>, vector<16xf32>,
        %max3A_444 = arith.maximumf %max3A_435, %get3A_443 : vector<16xf32>
        %mul3A_445 = arith.constant 16 : i32
        %mul3A_446 = arith.muli %scan3A_84, %mul3A_445 : i32
        %add3A_447 = arith.constant 8 : i32
        %add3A_448 = arith.addi %mul3A_446, %add3A_447 : i32
        %get3A_449 = arith.index_cast %rem3A_60 : i32 to index
        %get3A_450 = arith.index_cast %add3A_448 : i32 to index
        %get3A_451 = arith.constant 32 : index
        %get3A_452 = tpu.vector_load %arg13[%get3A_449, %get3A_450, %get3A_451] {strides = array<i32>} : memref<2x512x64xf32, #tpu.memory_space<vmem>>, vector<16xf32>,
        %max3A_453 = arith.maximumf %max3A_444, %get3A_452 : vector<16xf32>
        %mul3A_454 = arith.constant 16 : i32
        %mul3A_455 = arith.muli %scan3A_84, %mul3A_454 : i32
        %add3A_456 = arith.constant 9 : i32
        %add3A_457 = arith.addi %mul3A_455, %add3A_456 : i32
        %get3A_458 = arith.index_cast %rem3A_60 : i32 to index
        %get3A_459 = arith.index_cast %add3A_457 : i32 to index
        %get3A_460 = arith.constant 32 : index
        %get3A_461 = tpu.vector_load %arg13[%get3A_458, %get3A_459, %get3A_460] {strides = array<i32>} : memref<2x512x64xf32, #tpu.memory_space<vmem>>, vector<16xf32>,
        %max3A_462 = arith.maximumf %max3A_453, %get3A_461 : vector<16xf32>
        %mul3A_463 = arith.constant 16 : i32
        %mul3A_464 = arith.muli %scan3A_84, %mul3A_463 : i32
        %add3A_465 = arith.constant 10 : i32
        %add3A_466 = arith.addi %mul3A_464, %add3A_465 : i32
        %get3A_467 = arith.index_cast %rem3A_60 : i32 to index
        %get3A_468 = arith.index_cast %add3A_466 : i32 to index
        %get3A_469 = arith.constant 32 : index
        %get3A_470 = tpu.vector_load %arg13[%get3A_467, %get3A_468, %get3A_469] {strides = array<i32>} : memref<2x512x64xf32, #tpu.memory_space<vmem>>, vector<16xf32>,
        %max3A_471 = arith.maximumf %max3A_462, %get3A_470 : vector<16xf32>
        %mul3A_472 = arith.constant 16 : i32
        %mul3A_473 = arith.muli %scan3A_84, %mul3A_472 : i32
        %add3A_474 = arith.constant 11 : i32
        %add3A_475 = arith.addi %mul3A_473, %add3A_474 : i32
        %get3A_476 = arith.index_cast %rem3A_60 : i32 to index
        %get3A_477 = arith.index_cast %add3A_475 : i32 to index
        %get3A_478 = arith.constant 32 : index
        %get3A_479 = tpu.vector_load %arg13[%get3A_476, %get3A_477, %get3A_478] {strides = array<i32>} : memref<2x512x64xf32, #tpu.memory_space<vmem>>, vector<16xf32>,
        %max3A_480 = arith.maximumf %max3A_471, %get3A_479 : vector<16xf32>
        %mul3A_481 = arith.constant 16 : i32
        %mul3A_482 = arith.muli %scan3A_84, %mul3A_481 : i32
        %add3A_483 = arith.constant 12 : i32
        %add3A_484 = arith.addi %mul3A_482, %add3A_483 : i32
        %get3A_485 = arith.index_cast %rem3A_60 : i32 to index
        %get3A_486 = arith.index_cast %add3A_484 : i32 to index
        %get3A_487 = arith.constant 32 : index
        %get3A_488 = tpu.vector_load %arg13[%get3A_485, %get3A_486, %get3A_487] {strides = array<i32>} : memref<2x512x64xf32, #tpu.memory_space<vmem>>, vector<16xf32>,
        %max3A_489 = arith.maximumf %max3A_480, %get3A_488 : vector<16xf32>
        %mul3A_490 = arith.constant 16 : i32
        %mul3A_491 = arith.muli %scan3A_84, %mul3A_490 : i32
        %add3A_492 = arith.constant 13 : i32
        %add3A_493 = arith.addi %mul3A_491, %add3A_492 : i32
        %get3A_494 = arith.index_cast %rem3A_60 : i32 to index
        %get3A_495 = arith.index_cast %add3A_493 : i32 to index
        %get3A_496 = arith.constant 32 : index
        %get3A_497 = tpu.vector_load %arg13[%get3A_494, %get3A_495, %get3A_496] {strides = array<i32>} : memref<2x512x64xf32, #tpu.memory_space<vmem>>, vector<16xf32>,
        %max3A_498 = arith.maximumf %max3A_489, %get3A_497 : vector<16xf32>
        %mul3A_499 = arith.constant 16 : i32
        %mul3A_500 = arith.muli %scan3A_84, %mul3A_499 : i32
        %add3A_501 = arith.constant 14 : i32
        %add3A_502 = arith.addi %mul3A_500, %add3A_501 : i32
        %get3A_503 = arith.index_cast %rem3A_60 : i32 to index
        %get3A_504 = arith.index_cast %add3A_502 : i32 to index
        %get3A_505 = arith.constant 32 : index
        %get3A_506 = tpu.vector_load %arg13[%get3A_503, %get3A_504, %get3A_505] {strides = array<i32>} : memref<2x512x64xf32, #tpu.memory_space<vmem>>, vector<16xf32>,
        %max3A_507 = arith.maximumf %max3A_498, %get3A_506 : vector<16xf32>
        %mul3A_508 = arith.constant 16 : i32
        %mul3A_509 = arith.muli %scan3A_84, %mul3A_508 : i32
        %add3A_510 = arith.constant 15 : i32
        %add3A_511 = arith.addi %mul3A_509, %add3A_510 : i32
        %get3A_512 = arith.index_cast %rem3A_60 : i32 to index
        %get3A_513 = arith.index_cast %add3A_511 : i32 to index
        %get3A_514 = arith.constant 32 : index
        %get3A_515 = tpu.vector_load %arg13[%get3A_512, %get3A_513, %get3A_514] {strides = array<i32>} : memref<2x512x64xf32, #tpu.memory_space<vmem>>, vector<16xf32>,
        %max3A_516 = arith.maximumf %max3A_507, %get3A_515 : vector<16xf32>
        %add3A_517 = arith.constant 32 : i32
        %add3A_518 = vector.broadcast %add3A_517 : i32 to vector<16xi32>
        %add3A_519 = arith.addi %add3A_518, %iota3A : vector<16xi32>
        %broadcast_in_dim3A_520 = vector.broadcast %add3A_88 : i32 to vector<16xi32>
        tpu.vector_store_idx %arg14[%add3A_519, %broadcast_in_dim3A_520], %max3A_516 : memref<64x128xf32, #tpu.memory_space<vmem>>[vector<16xi32>, vector<16xi32>], vector<16xf32>,
        %mul3A_521 = arith.constant 16 : i32
        %mul3A_522 = arith.muli %scan3A_84, %mul3A_521 : i32
        %get3A_523 = arith.index_cast %rem3A_60 : i32 to index
        %get3A_524 = arith.index_cast %mul3A_522 : i32 to index
        %get3A_525 = arith.constant 48 : index
        %get3A_526 = tpu.vector_load %arg13[%get3A_523, %get3A_524, %get3A_525] {strides = array<i32>} : memref<2x512x64xf32, #tpu.memory_space<vmem>>, vector<16xf32>,
        %mul3A_527 = arith.constant 16 : i32
        %mul3A_528 = arith.muli %scan3A_84, %mul3A_527 : i32
        %add3A_529 = arith.constant 1 : i32
        %add3A_530 = arith.addi %mul3A_528, %add3A_529 : i32
        %get3A_531 = arith.index_cast %rem3A_60 : i32 to index
        %get3A_532 = arith.index_cast %add3A_530 : i32 to index
        %get3A_533 = arith.constant 48 : index
        %get3A_534 = tpu.vector_load %arg13[%get3A_531, %get3A_532, %get3A_533] {strides = array<i32>} : memref<2x512x64xf32, #tpu.memory_space<vmem>>, vector<16xf32>,
        %max3A_535 = arith.maximumf %get3A_526, %get3A_534 : vector<16xf32>
        %mul3A_536 = arith.constant 16 : i32
        %mul3A_537 = arith.muli %scan3A_84, %mul3A_536 : i32
        %add3A_538 = arith.constant 2 : i32
        %add3A_539 = arith.addi %mul3A_537, %add3A_538 : i32
        %get3A_540 = arith.index_cast %rem3A_60 : i32 to index
        %get3A_541 = arith.index_cast %add3A_539 : i32 to index
        %get3A_542 = arith.constant 48 : index
        %get3A_543 = tpu.vector_load %arg13[%get3A_540, %get3A_541, %get3A_542] {strides = array<i32>} : memref<2x512x64xf32, #tpu.memory_space<vmem>>, vector<16xf32>,
        %max3A_544 = arith.maximumf %max3A_535, %get3A_543 : vector<16xf32>
        %mul3A_545 = arith.constant 16 : i32
        %mul3A_546 = arith.muli %scan3A_84, %mul3A_545 : i32
        %add3A_547 = arith.constant 3 : i32
        %add3A_548 = arith.addi %mul3A_546, %add3A_547 : i32
        %get3A_549 = arith.index_cast %rem3A_60 : i32 to index
        %get3A_550 = arith.index_cast %add3A_548 : i32 to index
        %get3A_551 = arith.constant 48 : index
        %get3A_552 = tpu.vector_load %arg13[%get3A_549, %get3A_550, %get3A_551] {strides = array<i32>} : memref<2x512x64xf32, #tpu.memory_space<vmem>>, vector<16xf32>,
        %max3A_553 = arith.maximumf %max3A_544, %get3A_552 : vector<16xf32>
        %mul3A_554 = arith.constant 16 : i32
        %mul3A_555 = arith.muli %scan3A_84, %mul3A_554 : i32
        %add3A_556 = arith.constant 4 : i32
        %add3A_557 = arith.addi %mul3A_555, %add3A_556 : i32
        %get3A_558 = arith.index_cast %rem3A_60 : i32 to index
        %get3A_559 = arith.index_cast %add3A_557 : i32 to index
        %get3A_560 = arith.constant 48 : index
        %get3A_561 = tpu.vector_load %arg13[%get3A_558, %get3A_559, %get3A_560] {strides = array<i32>} : memref<2x512x64xf32, #tpu.memory_space<vmem>>, vector<16xf32>,
        %max3A_562 = arith.maximumf %max3A_553, %get3A_561 : vector<16xf32>
        %mul3A_563 = arith.constant 16 : i32
        %mul3A_564 = arith.muli %scan3A_84, %mul3A_563 : i32
        %add3A_565 = arith.constant 5 : i32
        %add3A_566 = arith.addi %mul3A_564, %add3A_565 : i32
        %get3A_567 = arith.index_cast %rem3A_60 : i32 to index
        %get3A_568 = arith.index_cast %add3A_566 : i32 to index
        %get3A_569 = arith.constant 48 : index
        %get3A_570 = tpu.vector_load %arg13[%get3A_567, %get3A_568, %get3A_569] {strides = array<i32>} : memref<2x512x64xf32, #tpu.memory_space<vmem>>, vector<16xf32>,
        %max3A_571 = arith.maximumf %max3A_562, %get3A_570 : vector<16xf32>
        %mul3A_572 = arith.constant 16 : i32
        %mul3A_573 = arith.muli %scan3A_84, %mul3A_572 : i32
        %add3A_574 = arith.constant 6 : i32
        %add3A_575 = arith.addi %mul3A_573, %add3A_574 : i32
        %get3A_576 = arith.index_cast %rem3A_60 : i32 to index
        %get3A_577 = arith.index_cast %add3A_575 : i32 to index
        %get3A_578 = arith.constant 48 : index
        %get3A_579 = tpu.vector_load %arg13[%get3A_576, %get3A_577, %get3A_578] {strides = array<i32>} : memref<2x512x64xf32, #tpu.memory_space<vmem>>, vector<16xf32>,
        %max3A_580 = arith.maximumf %max3A_571, %get3A_579 : vector<16xf32>
        %mul3A_581 = arith.constant 16 : i32
        %mul3A_582 = arith.muli %scan3A_84, %mul3A_581 : i32
        %add3A_583 = arith.constant 7 : i32
        %add3A_584 = arith.addi %mul3A_582, %add3A_583 : i32
        %get3A_585 = arith.index_cast %rem3A_60 : i32 to index
        %get3A_586 = arith.index_cast %add3A_584 : i32 to index
        %get3A_587 = arith.constant 48 : index
        %get3A_588 = tpu.vector_load %arg13[%get3A_585, %get3A_586, %get3A_587] {strides = array<i32>} : memref<2x512x64xf32, #tpu.memory_space<vmem>>, vector<16xf32>,
        %max3A_589 = arith.maximumf %max3A_580, %get3A_588 : vector<16xf32>
        %mul3A_590 = arith.constant 16 : i32
        %mul3A_591 = arith.muli %scan3A_84, %mul3A_590 : i32
        %add3A_592 = arith.constant 8 : i32
        %add3A_593 = arith.addi %mul3A_591, %add3A_592 : i32
        %get3A_594 = arith.index_cast %rem3A_60 : i32 to index
        %get3A_595 = arith.index_cast %add3A_593 : i32 to index
        %get3A_596 = arith.constant 48 : index
        %get3A_597 = tpu.vector_load %arg13[%get3A_594, %get3A_595, %get3A_596] {strides = array<i32>} : memref<2x512x64xf32, #tpu.memory_space<vmem>>, vector<16xf32>,
        %max3A_598 = arith.maximumf %max3A_589, %get3A_597 : vector<16xf32>
        %mul3A_599 = arith.constant 16 : i32
        %mul3A_600 = arith.muli %scan3A_84, %mul3A_599 : i32
        %add3A_601 = arith.constant 9 : i32
        %add3A_602 = arith.addi %mul3A_600, %add3A_601 : i32
        %get3A_603 = arith.index_cast %rem3A_60 : i32 to index
        %get3A_604 = arith.index_cast %add3A_602 : i32 to index
        %get3A_605 = arith.constant 48 : index
        %get3A_606 = tpu.vector_load %arg13[%get3A_603, %get3A_604, %get3A_605] {strides = array<i32>} : memref<2x512x64xf32, #tpu.memory_space<vmem>>, vector<16xf32>,
        %max3A_607 = arith.maximumf %max3A_598, %get3A_606 : vector<16xf32>
        %mul3A_608 = arith.constant 16 : i32
        %mul3A_609 = arith.muli %scan3A_84, %mul3A_608 : i32
        %add3A_610 = arith.constant 10 : i32
        %add3A_611 = arith.addi %mul3A_609, %add3A_610 : i32
        %get3A_612 = arith.index_cast %rem3A_60 : i32 to index
        %get3A_613 = arith.index_cast %add3A_611 : i32 to index
        %get3A_614 = arith.constant 48 : index
        %get3A_615 = tpu.vector_load %arg13[%get3A_612, %get3A_613, %get3A_614] {strides = array<i32>} : memref<2x512x64xf32, #tpu.memory_space<vmem>>, vector<16xf32>,
        %max3A_616 = arith.maximumf %max3A_607, %get3A_615 : vector<16xf32>
        %mul3A_617 = arith.constant 16 : i32
        %mul3A_618 = arith.muli %scan3A_84, %mul3A_617 : i32
        %add3A_619 = arith.constant 11 : i32
        %add3A_620 = arith.addi %mul3A_618, %add3A_619 : i32
        %get3A_621 = arith.index_cast %rem3A_60 : i32 to index
        %get3A_622 = arith.index_cast %add3A_620 : i32 to index
        %get3A_623 = arith.constant 48 : index
        %get3A_624 = tpu.vector_load %arg13[%get3A_621, %get3A_622, %get3A_623] {strides = array<i32>} : memref<2x512x64xf32, #tpu.memory_space<vmem>>, vector<16xf32>,
        %max3A_625 = arith.maximumf %max3A_616, %get3A_624 : vector<16xf32>
        %mul3A_626 = arith.constant 16 : i32
        %mul3A_627 = arith.muli %scan3A_84, %mul3A_626 : i32
        %add3A_628 = arith.constant 12 : i32
        %add3A_629 = arith.addi %mul3A_627, %add3A_628 : i32
        %get3A_630 = arith.index_cast %rem3A_60 : i32 to index
        %get3A_631 = arith.index_cast %add3A_629 : i32 to index
        %get3A_632 = arith.constant 48 : index
        %get3A_633 = tpu.vector_load %arg13[%get3A_630, %get3A_631, %get3A_632] {strides = array<i32>} : memref<2x512x64xf32, #tpu.memory_space<vmem>>, vector<16xf32>,
        %max3A_634 = arith.maximumf %max3A_625, %get3A_633 : vector<16xf32>
        %mul3A_635 = arith.constant 16 : i32
        %mul3A_636 = arith.muli %scan3A_84, %mul3A_635 : i32
        %add3A_637 = arith.constant 13 : i32
        %add3A_638 = arith.addi %mul3A_636, %add3A_637 : i32
        %get3A_639 = arith.index_cast %rem3A_60 : i32 to index
        %get3A_640 = arith.index_cast %add3A_638 : i32 to index
        %get3A_641 = arith.constant 48 : index
        %get3A_642 = tpu.vector_load %arg13[%get3A_639, %get3A_640, %get3A_641] {strides = array<i32>} : memref<2x512x64xf32, #tpu.memory_space<vmem>>, vector<16xf32>,
        %max3A_643 = arith.maximumf %max3A_634, %get3A_642 : vector<16xf32>
        %mul3A_644 = arith.constant 16 : i32
        %mul3A_645 = arith.muli %scan3A_84, %mul3A_644 : i32
        %add3A_646 = arith.constant 14 : i32
        %add3A_647 = arith.addi %mul3A_645, %add3A_646 : i32
        %get3A_648 = arith.index_cast %rem3A_60 : i32 to index
        %get3A_649 = arith.index_cast %add3A_647 : i32 to index
        %get3A_650 = arith.constant 48 : index
        %get3A_651 = tpu.vector_load %arg13[%get3A_648, %get3A_649, %get3A_650] {strides = array<i32>} : memref<2x512x64xf32, #tpu.memory_space<vmem>>, vector<16xf32>,
        %max3A_652 = arith.maximumf %max3A_643, %get3A_651 : vector<16xf32>
        %mul3A_653 = arith.constant 16 : i32
        %mul3A_654 = arith.muli %scan3A_84, %mul3A_653 : i32
        %add3A_655 = arith.constant 15 : i32
        %add3A_656 = arith.addi %mul3A_654, %add3A_655 : i32
        %get3A_657 = arith.index_cast %rem3A_60 : i32 to index
        %get3A_658 = arith.index_cast %add3A_656 : i32 to index
        %get3A_659 = arith.constant 48 : index
        %get3A_660 = tpu.vector_load %arg13[%get3A_657, %get3A_658, %get3A_659] {strides = array<i32>} : memref<2x512x64xf32, #tpu.memory_space<vmem>>, vector<16xf32>,
        %max3A_661 = arith.maximumf %max3A_652, %get3A_660 : vector<16xf32>
        %add3A_662 = arith.constant 48 : i32
        %add3A_663 = vector.broadcast %add3A_662 : i32 to vector<16xi32>
        %add3A_664 = arith.addi %add3A_663, %iota3A : vector<16xi32>
        %broadcast_in_dim3A_665 = vector.broadcast %add3A_88 : i32 to vector<16xi32>
        tpu.vector_store_idx %arg14[%add3A_664, %broadcast_in_dim3A_665], %max3A_661 : memref<64x128xf32, #tpu.memory_space<vmem>>[vector<16xi32>, vector<16xi32>], vector<16xf32>,
        %scan3A_666 = arith.constant 0 : i32
        scf.yield %scan3A_666 : i32
      }
      %scan3A_82 = arith.constant 32 : i32
      %scan3A_83 = arith.constant 0 : i32
      scf.yield %scan3A_83 : i32
    }
    %scan3A_56 = arith.constant 4 : i32
    "tpu.region"() ({
      %run_scoped3A = tpu.sem_alloc : memref<!tpu.dma_semaphore, #tpu.memory_space<semaphore_mem>>
      %dma_start3A_57 = arith.constant 64 : i32
      %dma_start3A_58 = tpu.memref_slice %arg6[%select_n3A, %dma_start3A_57, %sub3A_21] : memref<4x128x1024xf32, #tpu.memory_space<hbm>> -> memref<1x64x128xf32, #tpu.memory_space<hbm>>
      %dma_start3A_59 = tpu.memref_squeeze %dma_start3A_58 : memref<1x64x128xf32, #tpu.memory_space<hbm>> -> memref<64x128xf32, #tpu.memory_space<hbm>>
      %dma_start3A_60 = arith.constant 64 : i32
      %dma_start3A_61 = tpu.memref_slice %arg6[%select_n3A, %dma_start3A_60, %sub3A_21] : memref<4x128x1024xf32, #tpu.memory_space<hbm>> -> memref<1x64x128xf32, #tpu.memory_space<hbm>>
      %dma_start3A_62 = tpu.memref_squeeze %dma_start3A_61 : memref<1x64x128xf32, #tpu.memory_space<hbm>> -> memref<64x128xf32, #tpu.memory_space<hbm>>
      tpu.enqueue_dma source(%arg14 : memref<64x128xf32, #tpu.memory_space<vmem>>) target(%dma_start3A_62 : memref<64x128xf32, #tpu.memory_space<hbm>>) target_semaphore(%run_scoped3A : memref<!tpu.dma_semaphore, #tpu.memory_space<semaphore_mem>>)
      %dma_wait3A = arith.constant 64 : i32
      %dma_wait3A_63 = tpu.memref_slice %arg6[%select_n3A, %dma_wait3A, %sub3A_21] : memref<4x128x1024xf32, #tpu.memory_space<hbm>> -> memref<1x64x128xf32, #tpu.memory_space<hbm>>
      %dma_wait3A_64 = tpu.memref_squeeze %dma_wait3A_63 : memref<1x64x128xf32, #tpu.memory_space<hbm>> -> memref<64x128xf32, #tpu.memory_space<hbm>>
      %dma_wait3A_65 = arith.constant 64 : i32
      %dma_wait3A_66 = tpu.memref_slice %arg6[%select_n3A, %dma_wait3A_65, %sub3A_21] : memref<4x128x1024xf32, #tpu.memory_space<hbm>> -> memref<1x64x128xf32, #tpu.memory_space<hbm>>
      %dma_wait3A_67 = tpu.memref_squeeze %dma_wait3A_66 : memref<1x64x128xf32, #tpu.memory_space<hbm>> -> memref<64x128xf32, #tpu.memory_space<hbm>>
      tpu.wait_dma2 semaphore(%run_scoped3A : memref<!tpu.dma_semaphore, #tpu.memory_space<semaphore_mem>>) src(%arg14 : memref<64x128xf32, #tpu.memory_space<vmem>>) dst(%dma_wait3A_67 : memref<64x128xf32, #tpu.memory_space<hbm>>)
      tpu.yield
    }) : () -> ()
    return
  }
}

module attributes {stable_mosaic.version = 14 : i64} {
  func.func @_tc_body(%arg0: i32, %arg1: i32, %arg2: memref<1x8x4096xf32, #tpu.memory_space<vmem>>, %arg3: memref<1x512x8xf32, #tpu.memory_space<vmem>>, %arg4: memref<1x64x4096xf32, #tpu.memory_space<vmem>>, %arg5: memref<1x512x4096xf32, #tpu.memory_space<vmem>>, %arg6: memref<1x512x16xf32, #tpu.memory_space<vmem>>, %arg7: memref<1x4096x64xf32, #tpu.memory_space<vmem>>) attributes {dimension_semantics = [#tpu.dimension_semantics<arbitrary>, #tpu.dimension_semantics<arbitrary>], iteration_bounds = array<i64: 4, 2>, scalar_prefetch = 0 : i64, scratch_operands = 0 : i64, tpu.core_type = #tpu.core_type<tc>, window_params = [{transform_indices = @transform_0, window_bounds = array<i64: 1, 8, 4096>}, {transform_indices = @transform_1, window_bounds = array<i64: 1, 512, 8>}, {transform_indices = @transform_2, window_bounds = array<i64: 1, 64, 4096>}, {transform_indices = @transform_3, window_bounds = array<i64: 1, 512, 4096>}, {transform_indices = @transform_4, window_bounds = array<i64: 1, 512, 16>}, {transform_indices = @transform_5, window_bounds = array<i64: 1, 4096, 64>}]} {
    %get3A = arith.constant 0 : index
    %get3A_0 = arith.constant 0 : index
    %get3A_1 = arith.constant 0 : index
    %get3A_2 = vector.load %arg2[%get3A, %get3A_0, %get3A_1] : memref<1x8x4096xf32, #tpu.memory_space<vmem>>, vector<1x8x4096xf32>
    %get3A_3 = vector.shape_cast %get3A_2 : vector<1x8x4096xf32> to vector<8x4096xf32>
    %get3A_4 = arith.constant 0 : index
    %get3A_5 = arith.constant 0 : index
    %get3A_6 = arith.constant 0 : index
    %get3A_7 = vector.load %arg3[%get3A_4, %get3A_5, %get3A_6] : memref<1x512x8xf32, #tpu.memory_space<vmem>>, vector<1x512x8xf32>
    %get3A_8 = vector.shape_cast %get3A_7 : vector<1x512x8xf32> to vector<512x8xf32>
    %eq3A = arith.constant 0 : i32
    %eq3A_9 = arith.cmpi eq, %arg1, %eq3A : i32
    %convert_element_type3A = arith.extui %eq3A_9 : i1 to i32
    %cond3A = arith.constant 0 : i32
    %cond3A_10 = arith.cmpi ne, %convert_element_type3A, %cond3A : i32
    scf.if %cond3A_10 {
      %get3A_286 = arith.constant 0 : index
      %get3A_287 = arith.constant 0 : index
      %get3A_288 = arith.constant 0 : index
      %get3A_289 = vector.load %arg4[%get3A_286, %get3A_287, %get3A_288] : memref<1x64x4096xf32, #tpu.memory_space<vmem>>, vector<1x64x4096xf32>
      %get3A_290 = vector.shape_cast %get3A_289 : vector<1x64x4096xf32> to vector<64x4096xf32>
      %transpose3A = tpu.transpose %get3A_290, [1, 0] : vector<64x4096xf32> -> vector<4096x64xf32>
      %swap3A_291 = arith.constant 0 : index
      %swap3A_292 = arith.constant 0 : index
      %swap3A_293 = arith.constant 0 : index
      %swap3A_294 = vector.load %arg7[%swap3A_291, %swap3A_292, %swap3A_293] : memref<1x4096x64xf32, #tpu.memory_space<vmem>>, vector<1x4096x64xf32>
      %swap3A_295 = vector.shape_cast %swap3A_294 : vector<1x4096x64xf32> to vector<4096x64xf32>
      %swap3A_296 = vector.shape_cast %transpose3A : vector<4096x64xf32> to vector<1x4096x64xf32>
      tpu.vector_store %arg7[%swap3A_291, %swap3A_292, %swap3A_293], %swap3A_296 {strides = array<i32>} : memref<1x4096x64xf32, #tpu.memory_space<vmem>>, vector<1x4096x64xf32>,
    } else {
    }
    %slice3A = vector.extract_strided_slice %get3A_3 {offsets = [0, 0], sizes = [1, 4096], strides = [1, 1]} : vector<8x4096xf32> to vector<1x4096xf32>
    %slice3A_11 = vector.extract_strided_slice %get3A_8 {offsets = [0, 0], sizes = [512, 1], strides = [1, 1]} : vector<512x8xf32> to vector<512x1xf32>
    %sub3A = vector.broadcast %slice3A : vector<1x4096xf32> to vector<512x4096xf32>
    %sub3A_12 = vector.broadcast %slice3A_11 : vector<512x1xf32> to vector<512x4096xf32>
    %sub3A_13 = arith.subf %sub3A, %sub3A_12 : vector<512x4096xf32>
    %mul3A = arith.mulf %sub3A_13, %sub3A_13 : vector<512x4096xf32>
    %slice3A_14 = vector.extract_strided_slice %get3A_3 {offsets = [1, 0], sizes = [1, 4096], strides = [1, 1]} : vector<8x4096xf32> to vector<1x4096xf32>
    %slice3A_15 = vector.extract_strided_slice %get3A_8 {offsets = [0, 1], sizes = [512, 1], strides = [1, 1]} : vector<512x8xf32> to vector<512x1xf32>
    %sub3A_16 = vector.broadcast %slice3A_14 : vector<1x4096xf32> to vector<512x4096xf32>
    %sub3A_17 = vector.broadcast %slice3A_15 : vector<512x1xf32> to vector<512x4096xf32>
    %sub3A_18 = arith.subf %sub3A_16, %sub3A_17 : vector<512x4096xf32>
    %mul3A_19 = arith.mulf %sub3A_18, %sub3A_18 : vector<512x4096xf32>
    %add3A = arith.addf %mul3A, %mul3A_19 : vector<512x4096xf32>
    %slice3A_20 = vector.extract_strided_slice %get3A_3 {offsets = [2, 0], sizes = [1, 4096], strides = [1, 1]} : vector<8x4096xf32> to vector<1x4096xf32>
    %slice3A_21 = vector.extract_strided_slice %get3A_8 {offsets = [0, 2], sizes = [512, 1], strides = [1, 1]} : vector<512x8xf32> to vector<512x1xf32>
    %sub3A_22 = vector.broadcast %slice3A_20 : vector<1x4096xf32> to vector<512x4096xf32>
    %sub3A_23 = vector.broadcast %slice3A_21 : vector<512x1xf32> to vector<512x4096xf32>
    %sub3A_24 = arith.subf %sub3A_22, %sub3A_23 : vector<512x4096xf32>
    %mul3A_25 = arith.mulf %sub3A_24, %sub3A_24 : vector<512x4096xf32>
    %add3A_26 = arith.addf %add3A, %mul3A_25 : vector<512x4096xf32>
    %swap3A = arith.constant 0 : index
    %swap3A_27 = arith.constant 0 : index
    %swap3A_28 = arith.constant 0 : index
    %swap3A_29 = vector.load %arg5[%swap3A, %swap3A_27, %swap3A_28] : memref<1x512x4096xf32, #tpu.memory_space<vmem>>, vector<1x512x4096xf32>
    %swap3A_30 = vector.shape_cast %swap3A_29 : vector<1x512x4096xf32> to vector<512x4096xf32>
    %swap3A_31 = vector.shape_cast %add3A_26 : vector<512x4096xf32> to vector<1x512x4096xf32>
    tpu.vector_store %arg5[%swap3A, %swap3A_27, %swap3A_28], %swap3A_31 {strides = array<i32>} : memref<1x512x4096xf32, #tpu.memory_space<vmem>>, vector<1x512x4096xf32>,
    %slice3A_32 = vector.extract_strided_slice %add3A_26 {offsets = [0, 0], sizes = [512, 128], strides = [1, 1]} : vector<512x4096xf32> to vector<512x128xf32>
    %reduce_min3A = arith.constant dense<0x7F800000> : vector<512xf32>
    %reduce_min3A_33 = vector.multi_reduction <minimumf>, %slice3A_32, %reduce_min3A [1] : vector<512x128xf32> to vector<512xf32>
    %broadcast_in_dim3A = vector.shape_cast %reduce_min3A_33 : vector<512xf32> to vector<512x1xf32>
    %slice3A_34 = vector.extract_strided_slice %add3A_26 {offsets = [0, 128], sizes = [512, 128], strides = [1, 1]} : vector<512x4096xf32> to vector<512x128xf32>
    %reduce_min3A_35 = arith.constant dense<0x7F800000> : vector<512xf32>
    %reduce_min3A_36 = vector.multi_reduction <minimumf>, %slice3A_34, %reduce_min3A_35 [1] : vector<512x128xf32> to vector<512xf32>
    %broadcast_in_dim3A_37 = vector.shape_cast %reduce_min3A_36 : vector<512xf32> to vector<512x1xf32>
    %slice3A_38 = vector.extract_strided_slice %add3A_26 {offsets = [0, 256], sizes = [512, 128], strides = [1, 1]} : vector<512x4096xf32> to vector<512x128xf32>
    %reduce_min3A_39 = arith.constant dense<0x7F800000> : vector<512xf32>
    %reduce_min3A_40 = vector.multi_reduction <minimumf>, %slice3A_38, %reduce_min3A_39 [1] : vector<512x128xf32> to vector<512xf32>
    %broadcast_in_dim3A_41 = vector.shape_cast %reduce_min3A_40 : vector<512xf32> to vector<512x1xf32>
    %slice3A_42 = vector.extract_strided_slice %add3A_26 {offsets = [0, 384], sizes = [512, 128], strides = [1, 1]} : vector<512x4096xf32> to vector<512x128xf32>
    %reduce_min3A_43 = arith.constant dense<0x7F800000> : vector<512xf32>
    %reduce_min3A_44 = vector.multi_reduction <minimumf>, %slice3A_42, %reduce_min3A_43 [1] : vector<512x128xf32> to vector<512xf32>
    %broadcast_in_dim3A_45 = vector.shape_cast %reduce_min3A_44 : vector<512xf32> to vector<512x1xf32>
    %slice3A_46 = vector.extract_strided_slice %add3A_26 {offsets = [0, 512], sizes = [512, 128], strides = [1, 1]} : vector<512x4096xf32> to vector<512x128xf32>
    %reduce_min3A_47 = arith.constant dense<0x7F800000> : vector<512xf32>
    %reduce_min3A_48 = vector.multi_reduction <minimumf>, %slice3A_46, %reduce_min3A_47 [1] : vector<512x128xf32> to vector<512xf32>
    %broadcast_in_dim3A_49 = vector.shape_cast %reduce_min3A_48 : vector<512xf32> to vector<512x1xf32>
    %slice3A_50 = vector.extract_strided_slice %add3A_26 {offsets = [0, 640], sizes = [512, 128], strides = [1, 1]} : vector<512x4096xf32> to vector<512x128xf32>
    %reduce_min3A_51 = arith.constant dense<0x7F800000> : vector<512xf32>
    %reduce_min3A_52 = vector.multi_reduction <minimumf>, %slice3A_50, %reduce_min3A_51 [1] : vector<512x128xf32> to vector<512xf32>
    %broadcast_in_dim3A_53 = vector.shape_cast %reduce_min3A_52 : vector<512xf32> to vector<512x1xf32>
    %slice3A_54 = vector.extract_strided_slice %add3A_26 {offsets = [0, 768], sizes = [512, 128], strides = [1, 1]} : vector<512x4096xf32> to vector<512x128xf32>
    %reduce_min3A_55 = arith.constant dense<0x7F800000> : vector<512xf32>
    %reduce_min3A_56 = vector.multi_reduction <minimumf>, %slice3A_54, %reduce_min3A_55 [1] : vector<512x128xf32> to vector<512xf32>
    %broadcast_in_dim3A_57 = vector.shape_cast %reduce_min3A_56 : vector<512xf32> to vector<512x1xf32>
    %slice3A_58 = vector.extract_strided_slice %add3A_26 {offsets = [0, 896], sizes = [512, 128], strides = [1, 1]} : vector<512x4096xf32> to vector<512x128xf32>
    %reduce_min3A_59 = arith.constant dense<0x7F800000> : vector<512xf32>
    %reduce_min3A_60 = vector.multi_reduction <minimumf>, %slice3A_58, %reduce_min3A_59 [1] : vector<512x128xf32> to vector<512xf32>
    %broadcast_in_dim3A_61 = vector.shape_cast %reduce_min3A_60 : vector<512xf32> to vector<512x1xf32>
    %slice3A_62 = vector.extract_strided_slice %add3A_26 {offsets = [0, 1024], sizes = [512, 128], strides = [1, 1]} : vector<512x4096xf32> to vector<512x128xf32>
    %reduce_min3A_63 = arith.constant dense<0x7F800000> : vector<512xf32>
    %reduce_min3A_64 = vector.multi_reduction <minimumf>, %slice3A_62, %reduce_min3A_63 [1] : vector<512x128xf32> to vector<512xf32>
    %broadcast_in_dim3A_65 = vector.shape_cast %reduce_min3A_64 : vector<512xf32> to vector<512x1xf32>
    %slice3A_66 = vector.extract_strided_slice %add3A_26 {offsets = [0, 1152], sizes = [512, 128], strides = [1, 1]} : vector<512x4096xf32> to vector<512x128xf32>
    %reduce_min3A_67 = arith.constant dense<0x7F800000> : vector<512xf32>
    %reduce_min3A_68 = vector.multi_reduction <minimumf>, %slice3A_66, %reduce_min3A_67 [1] : vector<512x128xf32> to vector<512xf32>
    %broadcast_in_dim3A_69 = vector.shape_cast %reduce_min3A_68 : vector<512xf32> to vector<512x1xf32>
    %slice3A_70 = vector.extract_strided_slice %add3A_26 {offsets = [0, 1280], sizes = [512, 128], strides = [1, 1]} : vector<512x4096xf32> to vector<512x128xf32>
    %reduce_min3A_71 = arith.constant dense<0x7F800000> : vector<512xf32>
    %reduce_min3A_72 = vector.multi_reduction <minimumf>, %slice3A_70, %reduce_min3A_71 [1] : vector<512x128xf32> to vector<512xf32>
    %broadcast_in_dim3A_73 = vector.shape_cast %reduce_min3A_72 : vector<512xf32> to vector<512x1xf32>
    %slice3A_74 = vector.extract_strided_slice %add3A_26 {offsets = [0, 1408], sizes = [512, 128], strides = [1, 1]} : vector<512x4096xf32> to vector<512x128xf32>
    %reduce_min3A_75 = arith.constant dense<0x7F800000> : vector<512xf32>
    %reduce_min3A_76 = vector.multi_reduction <minimumf>, %slice3A_74, %reduce_min3A_75 [1] : vector<512x128xf32> to vector<512xf32>
    %broadcast_in_dim3A_77 = vector.shape_cast %reduce_min3A_76 : vector<512xf32> to vector<512x1xf32>
    %slice3A_78 = vector.extract_strided_slice %add3A_26 {offsets = [0, 1536], sizes = [512, 128], strides = [1, 1]} : vector<512x4096xf32> to vector<512x128xf32>
    %reduce_min3A_79 = arith.constant dense<0x7F800000> : vector<512xf32>
    %reduce_min3A_80 = vector.multi_reduction <minimumf>, %slice3A_78, %reduce_min3A_79 [1] : vector<512x128xf32> to vector<512xf32>
    %broadcast_in_dim3A_81 = vector.shape_cast %reduce_min3A_80 : vector<512xf32> to vector<512x1xf32>
    %slice3A_82 = vector.extract_strided_slice %add3A_26 {offsets = [0, 1664], sizes = [512, 128], strides = [1, 1]} : vector<512x4096xf32> to vector<512x128xf32>
    %reduce_min3A_83 = arith.constant dense<0x7F800000> : vector<512xf32>
    %reduce_min3A_84 = vector.multi_reduction <minimumf>, %slice3A_82, %reduce_min3A_83 [1] : vector<512x128xf32> to vector<512xf32>
    %broadcast_in_dim3A_85 = vector.shape_cast %reduce_min3A_84 : vector<512xf32> to vector<512x1xf32>
    %slice3A_86 = vector.extract_strided_slice %add3A_26 {offsets = [0, 1792], sizes = [512, 128], strides = [1, 1]} : vector<512x4096xf32> to vector<512x128xf32>
    %reduce_min3A_87 = arith.constant dense<0x7F800000> : vector<512xf32>
    %reduce_min3A_88 = vector.multi_reduction <minimumf>, %slice3A_86, %reduce_min3A_87 [1] : vector<512x128xf32> to vector<512xf32>
    %broadcast_in_dim3A_89 = vector.shape_cast %reduce_min3A_88 : vector<512xf32> to vector<512x1xf32>
    %slice3A_90 = vector.extract_strided_slice %add3A_26 {offsets = [0, 1920], sizes = [512, 128], strides = [1, 1]} : vector<512x4096xf32> to vector<512x128xf32>
    %reduce_min3A_91 = arith.constant dense<0x7F800000> : vector<512xf32>
    %reduce_min3A_92 = vector.multi_reduction <minimumf>, %slice3A_90, %reduce_min3A_91 [1] : vector<512x128xf32> to vector<512xf32>
    %broadcast_in_dim3A_93 = vector.shape_cast %reduce_min3A_92 : vector<512xf32> to vector<512x1xf32>
    %slice3A_94 = vector.extract_strided_slice %add3A_26 {offsets = [0, 2048], sizes = [512, 128], strides = [1, 1]} : vector<512x4096xf32> to vector<512x128xf32>
    %reduce_min3A_95 = arith.constant dense<0x7F800000> : vector<512xf32>
    %reduce_min3A_96 = vector.multi_reduction <minimumf>, %slice3A_94, %reduce_min3A_95 [1] : vector<512x128xf32> to vector<512xf32>
    %broadcast_in_dim3A_97 = vector.shape_cast %reduce_min3A_96 : vector<512xf32> to vector<512x1xf32>
    %slice3A_98 = vector.extract_strided_slice %add3A_26 {offsets = [0, 2176], sizes = [512, 128], strides = [1, 1]} : vector<512x4096xf32> to vector<512x128xf32>
    %reduce_min3A_99 = arith.constant dense<0x7F800000> : vector<512xf32>
    %reduce_min3A_100 = vector.multi_reduction <minimumf>, %slice3A_98, %reduce_min3A_99 [1] : vector<512x128xf32> to vector<512xf32>
    %broadcast_in_dim3A_101 = vector.shape_cast %reduce_min3A_100 : vector<512xf32> to vector<512x1xf32>
    %slice3A_102 = vector.extract_strided_slice %add3A_26 {offsets = [0, 2304], sizes = [512, 128], strides = [1, 1]} : vector<512x4096xf32> to vector<512x128xf32>
    %reduce_min3A_103 = arith.constant dense<0x7F800000> : vector<512xf32>
    %reduce_min3A_104 = vector.multi_reduction <minimumf>, %slice3A_102, %reduce_min3A_103 [1] : vector<512x128xf32> to vector<512xf32>
    %broadcast_in_dim3A_105 = vector.shape_cast %reduce_min3A_104 : vector<512xf32> to vector<512x1xf32>
    %slice3A_106 = vector.extract_strided_slice %add3A_26 {offsets = [0, 2432], sizes = [512, 128], strides = [1, 1]} : vector<512x4096xf32> to vector<512x128xf32>
    %reduce_min3A_107 = arith.constant dense<0x7F800000> : vector<512xf32>
    %reduce_min3A_108 = vector.multi_reduction <minimumf>, %slice3A_106, %reduce_min3A_107 [1] : vector<512x128xf32> to vector<512xf32>
    %broadcast_in_dim3A_109 = vector.shape_cast %reduce_min3A_108 : vector<512xf32> to vector<512x1xf32>
    %slice3A_110 = vector.extract_strided_slice %add3A_26 {offsets = [0, 2560], sizes = [512, 128], strides = [1, 1]} : vector<512x4096xf32> to vector<512x128xf32>
    %reduce_min3A_111 = arith.constant dense<0x7F800000> : vector<512xf32>
    %reduce_min3A_112 = vector.multi_reduction <minimumf>, %slice3A_110, %reduce_min3A_111 [1] : vector<512x128xf32> to vector<512xf32>
    %broadcast_in_dim3A_113 = vector.shape_cast %reduce_min3A_112 : vector<512xf32> to vector<512x1xf32>
    %slice3A_114 = vector.extract_strided_slice %add3A_26 {offsets = [0, 2688], sizes = [512, 128], strides = [1, 1]} : vector<512x4096xf32> to vector<512x128xf32>
    %reduce_min3A_115 = arith.constant dense<0x7F800000> : vector<512xf32>
    %reduce_min3A_116 = vector.multi_reduction <minimumf>, %slice3A_114, %reduce_min3A_115 [1] : vector<512x128xf32> to vector<512xf32>
    %broadcast_in_dim3A_117 = vector.shape_cast %reduce_min3A_116 : vector<512xf32> to vector<512x1xf32>
    %slice3A_118 = vector.extract_strided_slice %add3A_26 {offsets = [0, 2816], sizes = [512, 128], strides = [1, 1]} : vector<512x4096xf32> to vector<512x128xf32>
    %reduce_min3A_119 = arith.constant dense<0x7F800000> : vector<512xf32>
    %reduce_min3A_120 = vector.multi_reduction <minimumf>, %slice3A_118, %reduce_min3A_119 [1] : vector<512x128xf32> to vector<512xf32>
    %broadcast_in_dim3A_121 = vector.shape_cast %reduce_min3A_120 : vector<512xf32> to vector<512x1xf32>
    %slice3A_122 = vector.extract_strided_slice %add3A_26 {offsets = [0, 2944], sizes = [512, 128], strides = [1, 1]} : vector<512x4096xf32> to vector<512x128xf32>
    %reduce_min3A_123 = arith.constant dense<0x7F800000> : vector<512xf32>
    %reduce_min3A_124 = vector.multi_reduction <minimumf>, %slice3A_122, %reduce_min3A_123 [1] : vector<512x128xf32> to vector<512xf32>
    %broadcast_in_dim3A_125 = vector.shape_cast %reduce_min3A_124 : vector<512xf32> to vector<512x1xf32>
    %slice3A_126 = vector.extract_strided_slice %add3A_26 {offsets = [0, 3072], sizes = [512, 128], strides = [1, 1]} : vector<512x4096xf32> to vector<512x128xf32>
    %reduce_min3A_127 = arith.constant dense<0x7F800000> : vector<512xf32>
    %reduce_min3A_128 = vector.multi_reduction <minimumf>, %slice3A_126, %reduce_min3A_127 [1] : vector<512x128xf32> to vector<512xf32>
    %broadcast_in_dim3A_129 = vector.shape_cast %reduce_min3A_128 : vector<512xf32> to vector<512x1xf32>
    %slice3A_130 = vector.extract_strided_slice %add3A_26 {offsets = [0, 3200], sizes = [512, 128], strides = [1, 1]} : vector<512x4096xf32> to vector<512x128xf32>
    %reduce_min3A_131 = arith.constant dense<0x7F800000> : vector<512xf32>
    %reduce_min3A_132 = vector.multi_reduction <minimumf>, %slice3A_130, %reduce_min3A_131 [1] : vector<512x128xf32> to vector<512xf32>
    %broadcast_in_dim3A_133 = vector.shape_cast %reduce_min3A_132 : vector<512xf32> to vector<512x1xf32>
    %slice3A_134 = vector.extract_strided_slice %add3A_26 {offsets = [0, 3328], sizes = [512, 128], strides = [1, 1]} : vector<512x4096xf32> to vector<512x128xf32>
    %reduce_min3A_135 = arith.constant dense<0x7F800000> : vector<512xf32>
    %reduce_min3A_136 = vector.multi_reduction <minimumf>, %slice3A_134, %reduce_min3A_135 [1] : vector<512x128xf32> to vector<512xf32>
    %broadcast_in_dim3A_137 = vector.shape_cast %reduce_min3A_136 : vector<512xf32> to vector<512x1xf32>
    %slice3A_138 = vector.extract_strided_slice %add3A_26 {offsets = [0, 3456], sizes = [512, 128], strides = [1, 1]} : vector<512x4096xf32> to vector<512x128xf32>
    %reduce_min3A_139 = arith.constant dense<0x7F800000> : vector<512xf32>
    %reduce_min3A_140 = vector.multi_reduction <minimumf>, %slice3A_138, %reduce_min3A_139 [1] : vector<512x128xf32> to vector<512xf32>
    %broadcast_in_dim3A_141 = vector.shape_cast %reduce_min3A_140 : vector<512xf32> to vector<512x1xf32>
    %slice3A_142 = vector.extract_strided_slice %add3A_26 {offsets = [0, 3584], sizes = [512, 128], strides = [1, 1]} : vector<512x4096xf32> to vector<512x128xf32>
    %reduce_min3A_143 = arith.constant dense<0x7F800000> : vector<512xf32>
    %reduce_min3A_144 = vector.multi_reduction <minimumf>, %slice3A_142, %reduce_min3A_143 [1] : vector<512x128xf32> to vector<512xf32>
    %broadcast_in_dim3A_145 = vector.shape_cast %reduce_min3A_144 : vector<512xf32> to vector<512x1xf32>
    %slice3A_146 = vector.extract_strided_slice %add3A_26 {offsets = [0, 3712], sizes = [512, 128], strides = [1, 1]} : vector<512x4096xf32> to vector<512x128xf32>
    %reduce_min3A_147 = arith.constant dense<0x7F800000> : vector<512xf32>
    %reduce_min3A_148 = vector.multi_reduction <minimumf>, %slice3A_146, %reduce_min3A_147 [1] : vector<512x128xf32> to vector<512xf32>
    %broadcast_in_dim3A_149 = vector.shape_cast %reduce_min3A_148 : vector<512xf32> to vector<512x1xf32>
    %slice3A_150 = vector.extract_strided_slice %add3A_26 {offsets = [0, 3840], sizes = [512, 128], strides = [1, 1]} : vector<512x4096xf32> to vector<512x128xf32>
    %reduce_min3A_151 = arith.constant dense<0x7F800000> : vector<512xf32>
    %reduce_min3A_152 = vector.multi_reduction <minimumf>, %slice3A_150, %reduce_min3A_151 [1] : vector<512x128xf32> to vector<512xf32>
    %broadcast_in_dim3A_153 = vector.shape_cast %reduce_min3A_152 : vector<512xf32> to vector<512x1xf32>
    %slice3A_154 = vector.extract_strided_slice %add3A_26 {offsets = [0, 3968], sizes = [512, 128], strides = [1, 1]} : vector<512x4096xf32> to vector<512x128xf32>
    %reduce_min3A_155 = arith.constant dense<0x7F800000> : vector<512xf32>
    %reduce_min3A_156 = vector.multi_reduction <minimumf>, %slice3A_154, %reduce_min3A_155 [1] : vector<512x128xf32> to vector<512xf32>
    %broadcast_in_dim3A_157 = vector.shape_cast %reduce_min3A_156 : vector<512xf32> to vector<512x1xf32>
    %concatenate3A = tpu.concatenate %broadcast_in_dim3A, %broadcast_in_dim3A_37, %broadcast_in_dim3A_41, %broadcast_in_dim3A_45, %broadcast_in_dim3A_49, %broadcast_in_dim3A_53, %broadcast_in_dim3A_57, %broadcast_in_dim3A_61, %broadcast_in_dim3A_65, %broadcast_in_dim3A_69, %broadcast_in_dim3A_73, %broadcast_in_dim3A_77, %broadcast_in_dim3A_81, %broadcast_in_dim3A_85, %broadcast_in_dim3A_89, %broadcast_in_dim3A_93, %broadcast_in_dim3A_97, %broadcast_in_dim3A_101, %broadcast_in_dim3A_105, %broadcast_in_dim3A_109, %broadcast_in_dim3A_113, %broadcast_in_dim3A_117, %broadcast_in_dim3A_121, %broadcast_in_dim3A_125, %broadcast_in_dim3A_129, %broadcast_in_dim3A_133, %broadcast_in_dim3A_137, %broadcast_in_dim3A_141, %broadcast_in_dim3A_145, %broadcast_in_dim3A_149, %broadcast_in_dim3A_153, %broadcast_in_dim3A_157 in 1 : vector<512x1xf32>, vector<512x1xf32>, vector<512x1xf32>, vector<512x1xf32>, vector<512x1xf32>, vector<512x1xf32>, vector<512x1xf32>, vector<512x1xf32>, vector<512x1xf32>, vector<512x1xf32>, vector<512x1xf32>, vector<512x1xf32>, vector<512x1xf32>, vector<512x1xf32>, vector<512x1xf32>, vector<512x1xf32>, vector<512x1xf32>, vector<512x1xf32>, vector<512x1xf32>, vector<512x1xf32>, vector<512x1xf32>, vector<512x1xf32>, vector<512x1xf32>, vector<512x1xf32>, vector<512x1xf32>, vector<512x1xf32>, vector<512x1xf32>, vector<512x1xf32>, vector<512x1xf32>, vector<512x1xf32>, vector<512x1xf32>, vector<512x1xf32> -> vector<512x32xf32>
    %reduce_min3A_158 = arith.constant dense<0x7F800000> : vector<512xf32>
    %reduce_min3A_159 = vector.multi_reduction <minimumf>, %concatenate3A, %reduce_min3A_158 [1] : vector<512x32xf32> to vector<512xf32>
    %broadcast_in_dim3A_160 = vector.shape_cast %reduce_min3A_159 : vector<512xf32> to vector<512x1xf32>
    %le3A = vector.broadcast %broadcast_in_dim3A_160 : vector<512x1xf32> to vector<512x32xf32>
    %le3A_161 = arith.cmpf ole, %concatenate3A, %le3A : vector<512x32xf32>
    %jit3A = arith.constant 3.000000e+38 : f32
    %broadcast_in_dim3A_162 = vector.broadcast %jit3A : f32 to vector<512x32xf32>
    %select_n3A = arith.select %le3A_161, %broadcast_in_dim3A_162, %concatenate3A : vector<512x32xi1>, vector<512x32xf32>
    %reduce_min3A_163 = arith.constant dense<0x7F800000> : vector<512xf32>
    %reduce_min3A_164 = vector.multi_reduction <minimumf>, %select_n3A, %reduce_min3A_163 [1] : vector<512x32xf32> to vector<512xf32>
    %broadcast_in_dim3A_165 = vector.shape_cast %reduce_min3A_164 : vector<512xf32> to vector<512x1xf32>
    %le3A_166 = vector.broadcast %broadcast_in_dim3A_165 : vector<512x1xf32> to vector<512x32xf32>
    %le3A_167 = arith.cmpf ole, %select_n3A, %le3A_166 : vector<512x32xf32>
    %jit3A_168 = arith.constant 3.000000e+38 : f32
    %broadcast_in_dim3A_169 = vector.broadcast %jit3A_168 : f32 to vector<512x32xf32>
    %select_n3A_170 = arith.select %le3A_167, %broadcast_in_dim3A_169, %select_n3A : vector<512x32xi1>, vector<512x32xf32>
    %reduce_min3A_171 = arith.constant dense<0x7F800000> : vector<512xf32>
    %reduce_min3A_172 = vector.multi_reduction <minimumf>, %select_n3A_170, %reduce_min3A_171 [1] : vector<512x32xf32> to vector<512xf32>
    %broadcast_in_dim3A_173 = vector.shape_cast %reduce_min3A_172 : vector<512xf32> to vector<512x1xf32>
    %le3A_174 = vector.broadcast %broadcast_in_dim3A_173 : vector<512x1xf32> to vector<512x32xf32>
    %le3A_175 = arith.cmpf ole, %select_n3A_170, %le3A_174 : vector<512x32xf32>
    %jit3A_176 = arith.constant 3.000000e+38 : f32
    %broadcast_in_dim3A_177 = vector.broadcast %jit3A_176 : f32 to vector<512x32xf32>
    %select_n3A_178 = arith.select %le3A_175, %broadcast_in_dim3A_177, %select_n3A_170 : vector<512x32xi1>, vector<512x32xf32>
    %reduce_min3A_179 = arith.constant dense<0x7F800000> : vector<512xf32>
    %reduce_min3A_180 = vector.multi_reduction <minimumf>, %select_n3A_178, %reduce_min3A_179 [1] : vector<512x32xf32> to vector<512xf32>
    %broadcast_in_dim3A_181 = vector.shape_cast %reduce_min3A_180 : vector<512xf32> to vector<512x1xf32>
    %le3A_182 = vector.broadcast %broadcast_in_dim3A_181 : vector<512x1xf32> to vector<512x32xf32>
    %le3A_183 = arith.cmpf ole, %select_n3A_178, %le3A_182 : vector<512x32xf32>
    %jit3A_184 = arith.constant 3.000000e+38 : f32
    %broadcast_in_dim3A_185 = vector.broadcast %jit3A_184 : f32 to vector<512x32xf32>
    %select_n3A_186 = arith.select %le3A_183, %broadcast_in_dim3A_185, %select_n3A_178 : vector<512x32xi1>, vector<512x32xf32>
    %reduce_min3A_187 = arith.constant dense<0x7F800000> : vector<512xf32>
    %reduce_min3A_188 = vector.multi_reduction <minimumf>, %select_n3A_186, %reduce_min3A_187 [1] : vector<512x32xf32> to vector<512xf32>
    %broadcast_in_dim3A_189 = vector.shape_cast %reduce_min3A_188 : vector<512xf32> to vector<512x1xf32>
    %le3A_190 = vector.broadcast %broadcast_in_dim3A_189 : vector<512x1xf32> to vector<512x32xf32>
    %le3A_191 = arith.cmpf ole, %select_n3A_186, %le3A_190 : vector<512x32xf32>
    %jit3A_192 = arith.constant 3.000000e+38 : f32
    %broadcast_in_dim3A_193 = vector.broadcast %jit3A_192 : f32 to vector<512x32xf32>
    %select_n3A_194 = arith.select %le3A_191, %broadcast_in_dim3A_193, %select_n3A_186 : vector<512x32xi1>, vector<512x32xf32>
    %reduce_min3A_195 = arith.constant dense<0x7F800000> : vector<512xf32>
    %reduce_min3A_196 = vector.multi_reduction <minimumf>, %select_n3A_194, %reduce_min3A_195 [1] : vector<512x32xf32> to vector<512xf32>
    %broadcast_in_dim3A_197 = vector.shape_cast %reduce_min3A_196 : vector<512xf32> to vector<512x1xf32>
    %le3A_198 = vector.broadcast %broadcast_in_dim3A_197 : vector<512x1xf32> to vector<512x32xf32>
    %le3A_199 = arith.cmpf ole, %select_n3A_194, %le3A_198 : vector<512x32xf32>
    %jit3A_200 = arith.constant 3.000000e+38 : f32
    %broadcast_in_dim3A_201 = vector.broadcast %jit3A_200 : f32 to vector<512x32xf32>
    %select_n3A_202 = arith.select %le3A_199, %broadcast_in_dim3A_201, %select_n3A_194 : vector<512x32xi1>, vector<512x32xf32>
    %reduce_min3A_203 = arith.constant dense<0x7F800000> : vector<512xf32>
    %reduce_min3A_204 = vector.multi_reduction <minimumf>, %select_n3A_202, %reduce_min3A_203 [1] : vector<512x32xf32> to vector<512xf32>
    %broadcast_in_dim3A_205 = vector.shape_cast %reduce_min3A_204 : vector<512xf32> to vector<512x1xf32>
    %le3A_206 = vector.broadcast %broadcast_in_dim3A_205 : vector<512x1xf32> to vector<512x32xf32>
    %le3A_207 = arith.cmpf ole, %select_n3A_202, %le3A_206 : vector<512x32xf32>
    %jit3A_208 = arith.constant 3.000000e+38 : f32
    %broadcast_in_dim3A_209 = vector.broadcast %jit3A_208 : f32 to vector<512x32xf32>
    %select_n3A_210 = arith.select %le3A_207, %broadcast_in_dim3A_209, %select_n3A_202 : vector<512x32xi1>, vector<512x32xf32>
    %reduce_min3A_211 = arith.constant dense<0x7F800000> : vector<512xf32>
    %reduce_min3A_212 = vector.multi_reduction <minimumf>, %select_n3A_210, %reduce_min3A_211 [1] : vector<512x32xf32> to vector<512xf32>
    %broadcast_in_dim3A_213 = vector.shape_cast %reduce_min3A_212 : vector<512xf32> to vector<512x1xf32>
    %le3A_214 = vector.broadcast %broadcast_in_dim3A_213 : vector<512x1xf32> to vector<512x32xf32>
    %le3A_215 = arith.cmpf ole, %select_n3A_210, %le3A_214 : vector<512x32xf32>
    %jit3A_216 = arith.constant 3.000000e+38 : f32
    %broadcast_in_dim3A_217 = vector.broadcast %jit3A_216 : f32 to vector<512x32xf32>
    %select_n3A_218 = arith.select %le3A_215, %broadcast_in_dim3A_217, %select_n3A_210 : vector<512x32xi1>, vector<512x32xf32>
    %reduce_min3A_219 = arith.constant dense<0x7F800000> : vector<512xf32>
    %reduce_min3A_220 = vector.multi_reduction <minimumf>, %select_n3A_218, %reduce_min3A_219 [1] : vector<512x32xf32> to vector<512xf32>
    %broadcast_in_dim3A_221 = vector.shape_cast %reduce_min3A_220 : vector<512xf32> to vector<512x1xf32>
    %le3A_222 = vector.broadcast %broadcast_in_dim3A_221 : vector<512x1xf32> to vector<512x32xf32>
    %le3A_223 = arith.cmpf ole, %select_n3A_218, %le3A_222 : vector<512x32xf32>
    %jit3A_224 = arith.constant 3.000000e+38 : f32
    %broadcast_in_dim3A_225 = vector.broadcast %jit3A_224 : f32 to vector<512x32xf32>
    %select_n3A_226 = arith.select %le3A_223, %broadcast_in_dim3A_225, %select_n3A_218 : vector<512x32xi1>, vector<512x32xf32>
    %reduce_min3A_227 = arith.constant dense<0x7F800000> : vector<512xf32>
    %reduce_min3A_228 = vector.multi_reduction <minimumf>, %select_n3A_226, %reduce_min3A_227 [1] : vector<512x32xf32> to vector<512xf32>
    %broadcast_in_dim3A_229 = vector.shape_cast %reduce_min3A_228 : vector<512xf32> to vector<512x1xf32>
    %le3A_230 = vector.broadcast %broadcast_in_dim3A_229 : vector<512x1xf32> to vector<512x32xf32>
    %le3A_231 = arith.cmpf ole, %select_n3A_226, %le3A_230 : vector<512x32xf32>
    %jit3A_232 = arith.constant 3.000000e+38 : f32
    %broadcast_in_dim3A_233 = vector.broadcast %jit3A_232 : f32 to vector<512x32xf32>
    %select_n3A_234 = arith.select %le3A_231, %broadcast_in_dim3A_233, %select_n3A_226 : vector<512x32xi1>, vector<512x32xf32>
    %reduce_min3A_235 = arith.constant dense<0x7F800000> : vector<512xf32>
    %reduce_min3A_236 = vector.multi_reduction <minimumf>, %select_n3A_234, %reduce_min3A_235 [1] : vector<512x32xf32> to vector<512xf32>
    %broadcast_in_dim3A_237 = vector.shape_cast %reduce_min3A_236 : vector<512xf32> to vector<512x1xf32>
    %le3A_238 = vector.broadcast %broadcast_in_dim3A_237 : vector<512x1xf32> to vector<512x32xf32>
    %le3A_239 = arith.cmpf ole, %select_n3A_234, %le3A_238 : vector<512x32xf32>
    %jit3A_240 = arith.constant 3.000000e+38 : f32
    %broadcast_in_dim3A_241 = vector.broadcast %jit3A_240 : f32 to vector<512x32xf32>
    %select_n3A_242 = arith.select %le3A_239, %broadcast_in_dim3A_241, %select_n3A_234 : vector<512x32xi1>, vector<512x32xf32>
    %reduce_min3A_243 = arith.constant dense<0x7F800000> : vector<512xf32>
    %reduce_min3A_244 = vector.multi_reduction <minimumf>, %select_n3A_242, %reduce_min3A_243 [1] : vector<512x32xf32> to vector<512xf32>
    %broadcast_in_dim3A_245 = vector.shape_cast %reduce_min3A_244 : vector<512xf32> to vector<512x1xf32>
    %le3A_246 = vector.broadcast %broadcast_in_dim3A_245 : vector<512x1xf32> to vector<512x32xf32>
    %le3A_247 = arith.cmpf ole, %select_n3A_242, %le3A_246 : vector<512x32xf32>
    %jit3A_248 = arith.constant 3.000000e+38 : f32
    %broadcast_in_dim3A_249 = vector.broadcast %jit3A_248 : f32 to vector<512x32xf32>
    %select_n3A_250 = arith.select %le3A_247, %broadcast_in_dim3A_249, %select_n3A_242 : vector<512x32xi1>, vector<512x32xf32>
    %reduce_min3A_251 = arith.constant dense<0x7F800000> : vector<512xf32>
    %reduce_min3A_252 = vector.multi_reduction <minimumf>, %select_n3A_250, %reduce_min3A_251 [1] : vector<512x32xf32> to vector<512xf32>
    %broadcast_in_dim3A_253 = vector.shape_cast %reduce_min3A_252 : vector<512xf32> to vector<512x1xf32>
    %le3A_254 = vector.broadcast %broadcast_in_dim3A_253 : vector<512x1xf32> to vector<512x32xf32>
    %le3A_255 = arith.cmpf ole, %select_n3A_250, %le3A_254 : vector<512x32xf32>
    %jit3A_256 = arith.constant 3.000000e+38 : f32
    %broadcast_in_dim3A_257 = vector.broadcast %jit3A_256 : f32 to vector<512x32xf32>
    %select_n3A_258 = arith.select %le3A_255, %broadcast_in_dim3A_257, %select_n3A_250 : vector<512x32xi1>, vector<512x32xf32>
    %reduce_min3A_259 = arith.constant dense<0x7F800000> : vector<512xf32>
    %reduce_min3A_260 = vector.multi_reduction <minimumf>, %select_n3A_258, %reduce_min3A_259 [1] : vector<512x32xf32> to vector<512xf32>
    %broadcast_in_dim3A_261 = vector.shape_cast %reduce_min3A_260 : vector<512xf32> to vector<512x1xf32>
    %le3A_262 = vector.broadcast %broadcast_in_dim3A_261 : vector<512x1xf32> to vector<512x32xf32>
    %le3A_263 = arith.cmpf ole, %select_n3A_258, %le3A_262 : vector<512x32xf32>
    %jit3A_264 = arith.constant 3.000000e+38 : f32
    %broadcast_in_dim3A_265 = vector.broadcast %jit3A_264 : f32 to vector<512x32xf32>
    %select_n3A_266 = arith.select %le3A_263, %broadcast_in_dim3A_265, %select_n3A_258 : vector<512x32xi1>, vector<512x32xf32>
    %reduce_min3A_267 = arith.constant dense<0x7F800000> : vector<512xf32>
    %reduce_min3A_268 = vector.multi_reduction <minimumf>, %select_n3A_266, %reduce_min3A_267 [1] : vector<512x32xf32> to vector<512xf32>
    %broadcast_in_dim3A_269 = vector.shape_cast %reduce_min3A_268 : vector<512xf32> to vector<512x1xf32>
    %le3A_270 = vector.broadcast %broadcast_in_dim3A_269 : vector<512x1xf32> to vector<512x32xf32>
    %le3A_271 = arith.cmpf ole, %select_n3A_266, %le3A_270 : vector<512x32xf32>
    %jit3A_272 = arith.constant 3.000000e+38 : f32
    %broadcast_in_dim3A_273 = vector.broadcast %jit3A_272 : f32 to vector<512x32xf32>
    %select_n3A_274 = arith.select %le3A_271, %broadcast_in_dim3A_273, %select_n3A_266 : vector<512x32xi1>, vector<512x32xf32>
    %reduce_min3A_275 = arith.constant dense<0x7F800000> : vector<512xf32>
    %reduce_min3A_276 = vector.multi_reduction <minimumf>, %select_n3A_274, %reduce_min3A_275 [1] : vector<512x32xf32> to vector<512xf32>
    %broadcast_in_dim3A_277 = vector.shape_cast %reduce_min3A_276 : vector<512xf32> to vector<512x1xf32>
    %broadcast_in_dim3A_278 = vector.shape_cast %broadcast_in_dim3A_277 : vector<512x1xf32> to vector<512x1xf32>
    %broadcast_in_dim3A_279 = vector.broadcast %broadcast_in_dim3A_278 : vector<512x1xf32> to vector<512x16xf32>
    %swap3A_280 = arith.constant 0 : index
    %swap3A_281 = arith.constant 0 : index
    %swap3A_282 = arith.constant 0 : index
    %swap3A_283 = vector.load %arg6[%swap3A_280, %swap3A_281, %swap3A_282] : memref<1x512x16xf32, #tpu.memory_space<vmem>>, vector<1x512x16xf32>
    %swap3A_284 = vector.shape_cast %swap3A_283 : vector<1x512x16xf32> to vector<512x16xf32>
    %swap3A_285 = vector.shape_cast %broadcast_in_dim3A_279 : vector<512x16xf32> to vector<1x512x16xf32>
    tpu.vector_store %arg6[%swap3A_280, %swap3A_281, %swap3A_282], %swap3A_285 {strides = array<i32>} : memref<1x512x16xf32, #tpu.memory_space<vmem>>, vector<1x512x16xf32>,
    return
  }
  func.func @transform_0(%arg0: i32, %arg1: i32) -> (i32, i32, i32) {
    %c0_i32 = arith.constant 0 : i32
    %c0_i32_0 = arith.constant 0 : i32
    %c0_i32_1 = arith.constant 0 : i32
    return %arg0, %c0_i32, %c0_i32_0 : i32, i32, i32
  }
  func.func @transform_1(%arg0: i32, %arg1: i32) -> (i32, i32, i32) {
    %c0_i32 = arith.constant 0 : i32
    %c0_i32_0 = arith.constant 0 : i32
    return %arg0, %arg1, %c0_i32 : i32, i32, i32
  }
  func.func @transform_2(%arg0: i32, %arg1: i32) -> (i32, i32, i32) {
    %c0_i32 = arith.constant 0 : i32
    %c0_i32_0 = arith.constant 0 : i32
    %c0_i32_1 = arith.constant 0 : i32
    return %arg0, %c0_i32, %c0_i32_0 : i32, i32, i32
  }
  func.func @transform_3(%arg0: i32, %arg1: i32) -> (i32, i32, i32) {
    %c0_i32 = arith.constant 0 : i32
    %c0_i32_0 = arith.constant 0 : i32
    return %arg0, %arg1, %c0_i32 : i32, i32, i32
  }
  func.func @transform_4(%arg0: i32, %arg1: i32) -> (i32, i32, i32) {
    %c0_i32 = arith.constant 0 : i32
    %c0_i32_0 = arith.constant 0 : i32
    return %arg0, %arg1, %c0_i32 : i32, i32, i32
  }
  func.func @transform_5(%arg0: i32, %arg1: i32) -> (i32, i32, i32) {
    %c0_i32 = arith.constant 0 : i32
    %c0_i32_0 = arith.constant 0 : i32
    %c0_i32_1 = arith.constant 0 : i32
    return %arg0, %c0_i32, %c0_i32_0 : i32, i32, i32
  }
}

</mosaic_0001>

<sc_bundles>
// kernel: kernel.4.cloned.1.call-start
scs
__scs_entry_jumppad:
0x0: {  	(pc) =	sbr.rel $0x88, $3  }
0x1: {  	(tag) =	ssettag $0x0;
	lr =	simm.s32 $0x1  }
0x2: {  	[smem:$0x3F9F] =	sst lr;
	_ =	strace $0xD0000000  }
0x3: {  	_ = 	snop  }
0x4: {  	_ = 	snop  }
0x5: {  	_ = 	snop  }
0x6: {  	_ = 	snop  }
0x7: {  	_ = 	snop  }
__scs_overlays_trampoline_lowered:
0x8: {  	[smem:$0x3FAE] =	sst s0  }
0x9: {  	[smem:$0x3FAF] =	sst s1  }
0xa: {  	[smem:$0x3FB0] =	sst s2  }
0xb: {  	[smem:$0x3FB1] =	sst s3  }
0xc: {  	[smem:$0x3FB2] =	sst s4  }
0xd: {  	[smem:$0x3FB3] =	sst s5  }
0xe: {  	[smem:$0x3FB4] =	sst s6  }
0xf: {  	[smem:$0x3FB5] =	sst s7  }
0x10: {  	[smem:$0x3FB6] =	sst s8  }
0x11: {  	[smem:$0x3FB7] =	sst s9;
	s0 =	simm.s32 @!p0 $0x0  }
0x12: {  	s1 =	sld [smem:$0x3F9D];
	s0 =	simm.s32 @p0 $0x1  }
0x13: {  	[smem:$0x3FB8] =	sst s0;
	s0 =	simm.s32 @!p1 $0x0  }
0x14: {  	s2 =	sld [smem:$0x3F9C];
	s0 =	simm.s32 @p1 $0x1  }
0x15: {  	[smem:$0x3FB9] =	sst s0;
	s0 =	simm.s32 @!p2 $0x0  }
0x16: {  	s3 =	sld [smem:$0x3FDB];
	s0 =	simm.s32 @p2 $0x1  }
0x17: {  	s4 =	simm.s32 $0x1BF5;
	[smem:$0x3FBB] =	sst s0  }
0x18: {  	s0 =	sld [smem:$0x3F9E];
	_ =	swait.ge [sflag:s4], $0x0  }
0x19: {  	s7 =	sld [smem:$0x3F9F]  }
0x1a: {  	s8 =	sadd.s32 $0xFFFFE003, lr  }
0x1b: {  	s9 =	sadd.s32 $0xFFFFFEF7, lr;
	s5 =	simm.s32 $0xFFFFFFFF;
	p2 =	slt.u32 s8, $0xFFFFF086  }
0x1c: {  	p1 =	slt.u32 s9, $0xF7A;
	s5 =	simm.s32 @!p2 $0x0  }
0x1d: {  	s5 =	simm.s32 @p1 $0x1;
	p0 =	seq.s32 s7, s2  }
0x1e: {  	s7 =	smul.u32 @!p0 $0xF7A, s2;
	p2 =	seq.s32 @!p0 s5, $0x0  }
0x1f: {  	s9 =	smul.u32 $0xF7A, s1;
	s8 =	simm.s32 @!p0 $0x1BF5;
	p2 =	por !p2, p0  }
0x20: {  	[sflag:s8] =	ssyncset.s32 @!p0 $0xFFFFF086;
	s6 =	sadd.s32 @!p0 s3, s7;
	s7 =	simm.s32 @!p0 $0x108  }
0x21: {  	s3 =	sadd.s32 s3, s9;
	s6 =	sadd.s32 @!p0 $0x88, s6;
	s7 =	simm.s32 @p2 $0x1082  }
0x22: {  	[simem:s7], [sflag:s8] =	dma.local @!p0 [hbm:s6], $0xF7A  }
0x23: {  	s9 =	sor.u32 $0xD0000000, s2;
	s6 =	simm.s32 $0x108;
	_ =	swait.ge @!p0 [sflag:s8], $0x0  }
0x24: {  	s3 =	sadd.s32 $0x88, s3;
	s6 =	simm.s32 @!p1 $0x1082;
	[sflag:s4] =	ssyncset.s32 $0xFFFFF086  }
0x25: {  	[simem:s6], [sflag:s4] =	dma.local [hbm:s3], $0xF7A  }
0x26: {  	[smem:$0x3F9F] =	sst s1;
	(tag) =	ssettag s2;
	_ =	strace s9  }
0x27: {  	s1 =	sld [smem:$0x3FAF]  }
0x28: {  	s2 =	sld [smem:$0x3FB0]  }
0x29: {  	s4 =	sld [smem:$0x3FB2]  }
0x2a: {  	p0 =	seq.s32 s5, $0x0;
	s5 =	sld [smem:$0x3FB3]  }
0x2b: {  	s6 =	sld [smem:$0x3FB4]  }
0x2c: {  	s7 =	sld [smem:$0x3FB5]  }
0x2d: {  	s3 =	simm.s32 $0x108;
	s8 =	sld [smem:$0x3FB6]  }
0x2e: {  	s3 =	simm.s32 @!p0 $0x1082;
	s9 =	sld [smem:$0x3FB7]  }
0x2f: {  	lr =	sadd.s32 s0, s3;
	s0 =	sld [smem:$0x3FAE]  }
0x30: {  	s3 =	sld [smem:$0x3FB1]  }
0x31: {  	[smem:$0x3FBA] =	sst s10  }
0x32: {  	s10 =	sld [smem:$0x3FB8];
	_ =	sdelay $0x3  }
0x33: {  	p0 =	seq.s32 s10, $0x1;
	s10 =	sld [smem:$0x3FBA];
	_ =	sdelay $0x3  }
0x34: {  	[smem:$0x3FBA] =	sst s10  }
0x35: {  	s10 =	sld [smem:$0x3FB9];
	_ =	sdelay $0x3  }
0x36: {  	p1 =	seq.s32 s10, $0x1;
	s10 =	sld [smem:$0x3FBA];
	_ =	sdelay $0x3  }
0x37: {  	[smem:$0x3FBA] =	sst s10  }
0x38: {  	s10 =	sld [smem:$0x3FBB]  }
0x39: {  	_ = 	snop;
	(pc) =	sbr.ind lr, $3  }
0x3a: {  	_ = 	snop  }
0x3b: {  	_ = 	snop  }
0x3c: {  	p2 =	seq.s32 s10, $0x1;
	s10 =	sld [smem:$0x3FBA]  }
0x3d: {  	_ =	shalt  }
0x3e: {  	_ =	shalt  }
0x3f: {  	_ =	shalt  }
0x40: {  	_ =	shalt  }
0x41: {  	_ =	shalt  }
0x42: {  	_ =	shalt  }
0x43: {  	_ =	shalt  }
0x44: {  	_ =	shalt  }
0x45: {  	_ =	shalt  }
0x46: {  	_ =	shalt  }
0x47: {  	_ =	shalt  }
0x48: {  	_ =	shalt  }
0x49: {  	_ =	shalt  }
0x4a: {  	_ =	shalt  }
0x4b: {  	_ =	shalt  }
0x4c: {  	_ =	shalt  }
0x4d: {  	_ =	shalt  }
0x4e: {  	_ =	shalt  }
0x4f: {  	_ =	shalt  }
0x50: {  	_ =	shalt  }
0x51: {  	_ =	shalt  }
0x52: {  	_ =	shalt  }
0x53: {  	_ =	shalt  }
0x54: {  	_ =	shalt  }
0x55: {  	_ =	shalt  }
0x56: {  	_ =	shalt  }
0x57: {  	_ =	shalt  }
0x58: {  	_ =	shalt  }
0x59: {  	_ =	shalt  }
0x5a: {  	_ =	shalt  }
0x5b: {  	_ =	shalt  }
0x5c: {  	_ =	shalt  }
0x5d: {  	_ =	shalt  }
0x5e: {  	_ =	shalt  }
0x5f: {  	_ =	shalt  }
0x60: {  	_ =	shalt  }
0x61: {  	_ =	shalt  }
0x62: {  	_ =	shalt  }
0x63: {  	_ =	shalt  }
0x64: {  	_ =	shalt  }
0x65: {  	_ =	shalt  }
0x66: {  	_ =	shalt  }
0x67: {  	_ =	shalt  }
0x68: {  	_ =	shalt  }
0x69: {  	_ =	shalt  }
0x6a: {  	_ =	shalt  }
0x6b: {  	_ =	shalt  }
0x6c: {  	_ =	shalt  }
0x6d: {  	_ =	shalt  }
0x6e: {  	_ =	shalt  }
0x6f: {  	_ =	shalt  }
0x70: {  	_ =	shalt  }
0x71: {  	_ =	shalt  }
0x72: {  	_ =	shalt  }
0x73: {  	_ =	shalt  }
0x74: {  	_ =	shalt  }
0x75: {  	_ =	shalt  }
0x76: {  	_ =	shalt  }
0x77: {  	_ =	shalt  }
0x78: {  	_ =	shalt  }
0x79: {  	_ =	shalt  }
0x7a: {  	_ =	shalt  }
0x7b: {  	_ =	shalt  }
0x7c: {  	_ =	shalt  }
0x7d: {  	_ =	shalt  }
0x7e: {  	_ =	shalt  }
0x7f: {  	_ =	shalt  }
0x80: {  	_ =	shalt  }
0x81: {  	_ =	shalt  }
0x82: {  	_ =	shalt  }
0x83: {  	_ =	shalt  }
0x84: {  	_ =	shalt  }
0x85: {  	_ =	shalt  }
0x86: {  	_ =	shalt  }
0x87: {  	_ =	shalt  }
.Lfunc_end0:
.L_simem_size_0:
called_computation.1_lowered:
.L_overlay_start_0:
0x88: {  	s2 =	sld [smem:$0x3FD9]  }
0x89: {  	s3 =	sld [smem:$0x3FFE];
	_ =	sdelay $0x1  }
0x8a: {  	s1 =	srdreg.scid  }
0x8b: {  	s0 =	sand.u32 $0x1, s1  }
0x8c: {  	s14 =	sshll.u32 s0, $0xA;
	s2 =	sadd.s32 s3, s2  }
0x8d: {  	s2 =	sadd.s32 s2, s14  }
0x8e: {  	[smem:$0x3FC6] =	sst s2  }
0x8f: {  	_ = 	snop  }
0x90: {  	s2 =	sld [smem:$0x3FD0];
	_ =	sdelay $0x2  }
0x91: {  	s15 =	simm.s32 $0xA;
	s4 =	simm.s32 $0x10  }
0x92: {  	[smem:s4], [sflag:s15] =	dma.local [hbm:s2], $0x1  }
0x93: {  	_ =	swait.eq [sflag:s15], $0x1  }
0x94: {  	[sflag:s15] =	ssyncset.done $0x0  }
0x95: {  	[sflag:s15] =	ssyncadd.s32 $0xFFFFFFFF  }
0x96: {  	s16 =	sld [smem:$0x12];
	(tm) =	ssettm $0x1  }
0x97: {  	s17 =	sld [smem:$0x3FFB];
	_ =	sdelay $0x3  }
0x98: {  	_ =	strace s17  }
0x99: {  	s3 =	sld [smem:$0x3FFC];
	_ =	sdelay $0x3  }
0x9a: {  	_ =	strace s3  }
0x9b: {  	s3 =	sld [smem:$0x3FFD];
	_ =	sdelay $0x3  }
0x9c: {  	_ =	strace s3  }
0x9d: {  	_ =	strace $0x8FFFFFFF  }
0x9e: {  	s18 =	sld [smem:$0x3FDB];
	_ =	sdelay $0x1  }
0x9f: {  	s19 =	simm.s32 $_scs_section_size  }
0xa0: {  	s5 =	simm.s32 $_size__tile_overlayer_lowered;
	s6 =	simm.s32 $_tile_overlayer_lowered  }
0xa1: {  	s22 =	simm.s32 $0x1BFF;
	s21 =	sshll.u32 s6, $0x1;
	s3 =	sadd.s32 s19, s18  }
0xa2: {  	s7 =	simm.s32 $0x0;
	s20 =	sshll.u32 s5, $0x1;
	s5 =	sadd.s32 s21, s3  }
0xa3: {  	[timem:s7], [sflag:s22] =	dma.local [hbm:s5], s20  }
0xa4: {  	_ =	swait.ge [sflag:s22], s20  }
0xa5: {  	s4 =	ssub.s32 $0x0, s20;
	[sflag:s22] =	ssyncset.done $0x0  }
0xa6: {  	[sflag:s22] =	ssyncadd.s32 s4;
	_ =	sdelay $0x1  }
0xa7: {  	s23 =	simm.s32 $0x1B8B  }
0xa8: {  	_ =	swait.ge [sflag:s23], $0x1  }
0xa9: {  	[sflag:s23] =	ssyncset.done $0x0  }
0xaa: {  	s25 =	simm.s32 $0x1B8E;
	s24 =	sld [smem:$0x3FFE];
	[sflag:s23] =	ssyncadd.s32 $0xFFFFFFFF  }
0xab: {  	s26 =	simm.s32 $execute0_lowered;
	[smem:$0x3FD2] =	sst s25  }
0xac: {  	s5 =	sshll.u32 s26, $0x1;
	_ =	strace $0x80000049;
	[dreg:$0x1] =	wrdreg $0xFFFFFFFF  }
0xad: {  	s28 =	simm.s32 $_size_execute0_lowered;
	s3 =	sadd.s32 s3, s5;
	[dreg:$0x0] =	wrdreg $0x0  }
0xae: {  	s5 =	sshll.u32 s28, $0x1;
	[dreg:$0x2] =	wrdreg s3  }
0xaf: {  	[dreg:$0x3] =	wrdreg s5  }
0xb0: {  	[dreg:$0x4] =	wrdreg $0xC0  }
0xb1: {  	_ =	task [dreg:s7], $0x5FFFF  }
0xb2: {  	[dreg:$0x1] =	wrdreg $0xFFFFFFFF  }
0xb3: {  	[dreg:$0x0] =	wrdreg $0x60  }
0xb4: {  	[dreg:$0x2] =	wrdreg s24  }
0xb5: {  	[dreg:$0x3] =	wrdreg s16  }
0xb6: {  	[dreg:$0x4] =	wrdreg $0x9  }
0xb7: {  	_ =	task.clear_ibuf [dreg:s7], $0x5FFFF;
	_ =	strace $0x90000049  }
0xb8: {  	s29 =	simm.s32 $0x9;
	_ =	strace $0x8000004B  }
0xb9: {  	_ =	swait.ge [sflag:s29], $0x1  }
0xba: {  	[sflag:s29] =	ssyncadd.s32 $0xFFFFFFFF  }
0xbb: {  	_ =	strace $0x9000004B  }
0xbc: {  	_ =	sfence  }
0xbd: {  	s30 =	sld [smem:$0x0];
	_ =	sdelay $0x2  }
0xbe: {  	s31 =	sshll.u32 s1, $0xD;
	s1 =	sshrl.u32 s1, $0x2  }
0xbf: {  	s3 =	sand.u32 $0x4000, s31;
	s1 =	sadd.s32 s1, s30  }
0xc0: {  	s0 =	sor.u32 s3, s0;
	s1 =	sshll.u32 s1, $0x11  }
0xc1: {  	s0 =	sor.u32 s1, s0  }
0xc2: {  	s0 =	sadd.s32 $0x8F2B, s0  }
0xc3: {  	[sflag:s0] =	ssyncadd.remote.s32 $0x1  }
0xc4: {  	_ =	sfence.sel $0xFFFF  }
0xc5: {  	[dreg:$0x0] =	wrdreg $0xFFFFFFFF;
	(pc) =	sbr.abs _section_cstart, $3  }
0xc6: {  	[dreg:$0x1] =	wrdreg $0xFFFFFFFF  }
0xc7: {  	_ =	task.clear_ibuf [dreg:s7], $0x2FFFF;
	_ =	strace $0x9FFFFFFF  }
0xc8: {  	(tm) =	ssettm $0x7FFFFFFF  }
0xc9: {  	_ =	shalt  }
tec
execute0_lowered:
.L_overlay_start_1:
0x0: {  	(tag) =	ssettag $0x1  }
0x1: {  	s0 =	rddreg [dreg:$0x0]  }
0x2: {  	s1 =	rddreg [dreg:$0x1];
	s2 =	srdreg.scid  }
0x3: {  	s10 =	stileid.u32;
	s13 =	simm.s32 $0x80;
	s15 =	simm.s32 $0x17100  }
0x4: {  	s16 =	simm.s32 $0x400;
	s18 =	simm.s32 $0x1;
	s19 =	simm.s32 $0x4800  }
0x5: {  	s20 =	simm.s32 $0x2800;
	s21 =	simm.s32 $0x3800;
	s22 =	simm.s32 $0x200  }
0x6: {  	s23 =	simm.s32 $0x4900;
	s24 =	simm.s32 $0x5100;
	s25 =	simm.s32 $0x2  }
0x7: {  	s26 =	simm.s32 $0x15100;
	s28 =	simm.s32 $0x0;
	s5 =	sand.u32 $0x1, s2  }
0x8: {  	s2 =	simm.s32 $0x0;
	s3 =	sshll.u32 s10, $0x8;
	s6 =	sshrl.u32 s10, $0x2  }
0x9: {  	vm0 =	vmmov $0x1;
	vm3 =	vcmask $0x308;
	vm4 =	vcmask $0x70C;
	s29 =	sshll.u32 s10, $0xA;
	s4 =	sshll.u32 s5, $0x7;
	[smem:$0x7FF] =	sst s2  }
0xa: {  	vm5 =	vcmask $0xB10;
	vm6 =	vcmask $0xF14;
	vm7 =	vcmask $0x1318;
	s8 =	sshll.u32 s6, $0x12;
	s6 =	sshll.u32 s6, $0x11;
	s5 =	ssub.s32 $0x2, s5  }
0xb: {  	vm8 =	vcmask $0x171C;
	vm9 =	vcmask $0x1B20;
	vm10 =	vcmask $0x1F24;
	s3 =	sor.u32 s4, s3;
	_ =	strace $0x8000004A;
	s31 =	sshrl.u32 s5, $0x1  }
0xc: {  	vm11 =	vcmask $0x2328;
	vm12 =	vcmask $0x272C;
	v1 =	vlaneseq.u32;
	s4 =	sshll.u32 s3, $0x9;
	s7 =	sand.u32 $0x380, s3;
	s11 =	sshll.u32 s3, $0x1  }
0xd: {  	vm13 =	vcmask $0x2B30;
	vm2 =	vcmask $0x2F34;
	vm14 =	vcmask $0x3338;
	s12 =	ssub.s32 s5, s31;
	s9 =	sadd.s32 s4, s0;
	s8 =	sor.u32 s8, s7  }
0xe: {  	v8 =	vimm.s32 $0x0;
	v4 =	vmul.u32 $0xFFFFFFFF, v1;
	v2 =	vmul.u32 $0x80, v1;
	s4 =	sadd.s32 $0x400E00, s0;
	s6 =	sor.u32 s6, s7;
	s7 =	sand.u32 $0x3000, s29  }
0xf: {  	vm15 =	vcmask $0x373C;
	vm1 =	vmmov $0x7fff;
	v8 =	vsel vm0, $0xFFFFFFFF, v8;
	s5 =	sadd.s32 s1, s11;
	s8 =	sshrl.u32 s8, $0x3;
	s6 =	sshrl.u32 s6, $0x3  }
0x10: {  	v4 =	vadd.s32 $0xF, v4;
	v5 =	vor.u32 $0x800, v2;
	[tilespmem:$0x1FFE0] =	vst v8;
	v8 =	vimm.s32 $0x0;
	s11 =	smax.u32 s12, $0x1;
	s8 =	sadd.s32 s8, s0;
	s30 =	sadd.s32 s6, s0  }
0x11: {  	v6 =	vor.u32 $0x1000, v2;
	v8 =	vsel vm1, $0xFFFFFFFF, v8;
	s12 =	simm.s32 $0x3;
	v0 =	vmov s7;
	s6 =	sadd.s32 $0x420E00, s8;
	s7 =	sadd.s32 $0xE00, s30  }
0x12: {  	v3 =	vimm.s32 $0x0;
	v7 =	vor.u32 $0x1800, v2;
	[tilespmem:$0x1FFF0] =	vst v8;
	s8 =	sadd.s32 $0x200E00, s9;
	s9 =	sadd.s32 $0x201000, s0;
	s10 =	sadd.s32 $0x2E00, s30  }
.LBB2_1:
0x13: {  	[tilespmem:s2], [sflag:$0x3] =	stream.linear.gather [hbm4b:s5+s2], $0x800, $0x38;
	[tilespmem:$0x19100] =	vst v63  }
0x14: {  	_ =	swait.ge [sflag:s12], $0x800  }
0x15: {  	[sflag:s12] =	ssyncset.done $0x0  }
0x16: {  	s0 =	simm.s32 $0x1000;
	[sflag:s12] =	ssyncadd.s32 $0xFFFFF800  }
0x17: {  	[tilespmem:s15], [sflag:$0x3] =	stream.strided.gather [hbm4b:s6+s13], $0x2000, s0, s13, $0x38;
	[tilespmem:$0x19100] =	vst v63  }
0x18: {  	_ =	swait.ge [sflag:s12], $0x2000  }
0x19: {  	[sflag:s12] =	ssyncset.done $0x0  }
0x1a: {  	[sflag:s12] =	ssyncadd.s32 $0xFFFFE000  }
0x1b: {  	[hbm4b:s7+s13] =	stream.strided.scatter [tilespmem:s15], [sflag:$0x3], $0x2000, s16, s13, $0x38;
	[tilespmem:$0x19100] =	vst v63  }
.Ltmp0:
0x1c: {  	_ = 	snop;
	(pc) =	sbr.rel .LBB2_2-.Ltmp0, $4  }
0x1d: {  	_ =	swait.ge [sflag:s12], $0x2000  }
0x1e: {  	s31 =	simm.s32 $0x800;
	[sflag:s12] =	ssyncset.done $0x0  }
0x1f: {  	p0 =	por $0x0, $0x0;
	s30 =	simm.s32 $0x0;
	[sflag:s12] =	ssyncadd.s32 $0xFFFFE000  }
0x20: {  	[tilespmem:s31], [sflag:$0x1] =	stream.linear.gather [hbm4b:s8+s2], $0x1000, $0x38;
	[tilespmem:$0x19100] =	vst v63  }
.LBB2_8:
0x21: {  	s1 =	simm.s32 $0x0  }
.LBB2_13:
0x22: {  	v12 =	vld [tilespmem:s14+$0x0];
	s1 =	sadd.s32 @p1 $0x10, s1  }
0x23: {  	v13, v14, _ =	vpop @p1 (xrf1);
	s0 =	smov.u32 @p1 s1  }
0x24: {  	v13 =	vperm.xlane @p1 v13, v4;
	v16, v17, _ =	vpop @p2 (xrf1);
	v15 =	vor.u32 s0, v1  }
0x25: {  	vm1 =	vlt.s32 v15, v10;
	v10 =	vperm.xlane @p1 v14, v4;
	v14 =	vpsel p2, v16, v8  }
0x26: {  	v15 =	vpsel p2, v17, v9;
	v11 =	vnsel vm1, $0x7F61B1E6, v11;
	vm1 =	vlt.f32 @p1 v13, v14  }
0x27: {  	(xrf1) =	vsort.ascd.msk.f32 $0xffff, v11, v12;
	v11 =	vsel @p1 vm1, v13, v14;
	v10 =	vsel @p1 vm1, v10, v15  }
0x28: {  	(xrf1) =	vsort.ascd.msk.f32 @p1 $0xffff, v11, v10;
	_ =	sdelay $0xc  }
0x29: {  	v10, v11, _ =	vpop (xrf1)  }
0x2a: {  	v10 =	vperm.xlane v10, v4;
	v12, v13, _ =	vpop @p1 (xrf1)  }
0x2b: {  	v11 =	vperm.xlane v11, v4;
	v8 =	vpsel p1, v12, v8  }
0x2c: {  	v9 =	vpsel p1, v13, v9;
	vm1 =	vlt.f32 v10, v8  }
0x2d: {  	v8 =	vsel vm1, v10, v8;
	v9 =	vsel vm1, v11, v9  }
0x2e: {  	(xrf1) =	vsort.ascd.msk.f32 $0xffff, v8, v9;
	_ =	sdelay $0xd  }
0x2f: {  	v8, v9, _ =	vpop (xrf1)  }
.LBB2_14:
0x30: {  	p1 =	sne.s32 s30, $0x80  }
.Ltmp1:
0x31: {  	_ = 	snop;
	(pc) =	sbr.rel @!p1 .LBB2_15-.Ltmp1, $3  }
0x32: {  	_ =	sdelay $0x1  }
0x33: {  	v8 =	vadd.s32 v0, v9  }
0x34: {  	p0 =	por !p0, !p0;
	[tilespmem:s29+$0x4900] =	vst v8  }
.LBB2_2:
0x35: {  	s1 =	simm.s32 $0x1  }
0x36: {  	_ =	swait.ge [sflag:s18], $0x1000;
	p1 =	seq.s32 s30, $0x7F;
	s0 =	sshll.u32 s30, $0xC  }
0x37: {  	s1 =	simm.s32 @!p0 $0x0;
	[sflag:s18] =	ssyncset.done $0x0;
	s14 =	sadd.s32 @!p1 s3, s30  }
0x38: {  	s0 =	sand.u32 $0x1000, s0;
	s29 =	simm.s32 @!p1 $0x0;
	s14 =	sshll.u32 @!p1 s14, $0x9  }
0x39: {  	[sflag:s18] =	ssyncadd.s32 $0xFFFFF000;
	s17 =	ssub.s32 @!p1 $0x1800, s0;
	s14 =	sadd.s32 @!p1 s14, s9  }
0x3a: {  	[tilespmem:s17], [sflag:$0x1] =	stream.linear.gather @!p1 [hbm4b:s14+s29], $0x1000, $0x38;
	[tilespmem:$0x19100] =	vst v63  }
0x3b: {  	s1 =	sshll.u32 s1, $0xC;
	s29 =	sshll.u32 s30, $0x4  }
0x3c: {  	s31 =	sor.u32 $0x880, s1;
	v8 =	vld [tilespmem:s29+$0x0]  }
0x3d: {  	v11 =	vld [tilespmem:s31+$0xFFFFFFA0];
	_ =	sdelay $0x4  }
0x3e: {  	vm1 =	vle.f32 v11, v8;
	v11 =	vimm.s32 $0x0  }
0x3f: {  	v11 =	vsel vm1, $0xFFFFFFFF, v11  }
0x40: {  	v10 =	vld [tilespmem:s31+$0xFFFFFFB0];
	[tilespmem:$0x1FF90] =	vst v11  }
0x41: {  	v11 =	vld [tilespmem:$0x1FF90]  }
0x42: {  	v12 =	vld [tilespmem:s31+$0xFFFFFF90]  }
0x43: {  	v13 =	vld [tilespmem:s31+$0xFFFFFF80];
	_ =	sdelay $0x1  }
0x44: {  	vm1 =	vle.f32 v10, v8;
	v10 =	vimm.s32 $0x0  }
0x45: {  	v10 =	vsel vm1, $0xFFFFFFFF, v10;
	vm1 =	vnez.u8 v11  }
0x46: {  	v11 =	vmpcnt.ones.xlane vm1;
	vm1 =	vle.f32 v12, v8  }
0x47: {  	v48 =	vimm.s32 $0x0;
	[tilespmem:$0x1FFA0] =	vst v10;
	v12 =	vmpcnt.ones.xlane vm1;
	vm1 =	vle.f32 v13, v8  }
0x48: {  	v49 =	vld [tilespmem:$0x1FFA0];
	v13 =	vsel vm1, $0xFFFFFFFF, v48  }
0x49: {  	v9 =	vld [tilespmem:s31+$0xFFFFFFC0];
	[tilespmem:$0x1FFB0] =	vst v13  }
0x4a: {  	v16 =	vld [tilespmem:$0x1FFB0]  }
0x4b: {  	v14 =	vld [tilespmem:s31+$0xFFFFFFD0];
	_ =	sdelay $0x1  }
0x4c: {  	vm1 =	vnez.u8 v49  }
0x4d: {  	v13 =	vmpcnt.ones.xlane vm1;
	vm1 =	vle.f32 v9, v8;
	v9 =	vimm.s32 $0x0  }
0x4e: {  	v9 =	vsel vm1, $0xFFFFFFFF, v9;
	vm1 =	vnez.u8 v16  }
0x4f: {  	v50 =	vimm.s32 $0x0;
	v16 =	vmpcnt.ones.xlane vm1;
	vm1 =	vle.f32 v14, v8  }
0x50: {  	[tilespmem:$0x1FFC0] =	vst v9;
	v14 =	vsel vm1, $0xFFFFFFFF, v50  }
0x51: {  	v51 =	vld [tilespmem:$0x1FFC0];
	[tilespmem:$0x1FFD0] =	vst v14  }
0x52: {  	v17 =	vld [tilespmem:$0x1FFD0]  }
0x53: {  	v15 =	vld [tilespmem:s31+$0xFFFFFFE0]  }
0x54: {  	v10 =	vld [tilespmem:s31+$0xFFFFFFF0]  }
0x55: {  	v11 =	vsel vm4, $0x0, v11;
	v9 =	vld [tilespmem:s31+$0x0]  }
0x56: {  	v12 =	vsel vm3, $0x0, v12;
	v13 =	vsel vm5, $0x0, v13;
	vm1 =	vnez.u8 v51  }
0x57: {  	v52 =	vld [tilespmem:s31+$0x10];
	v14 =	vmpcnt.ones.xlane vm1;
	v16 =	vnsel vm0, $0x0, v16;
	vm1 =	vnez.u8 v17  }
0x58: {  	v18 =	vld [tilespmem:s31+$0x20];
	v12 =	vadd.s32 v16, v12;
	v17 =	vmpcnt.ones.xlane vm1;
	vm1 =	vle.f32 v15, v8  }
0x59: {  	v19 =	vmpcnt.ones.xlane vm1;
	vm1 =	vle.f32 v10, v8;
	v10 =	vsel vm6, $0x0, v14  }
0x5a: {  	v54 =	vld [tilespmem:s31+$0x30];
	v53 =	vmpcnt.ones.xlane vm1;
	vm1 =	vle.f32 v9, v8;
	v9 =	vadd.s32 v11, v12  }
0x5b: {  	v56 =	vld [tilespmem:s31+$0x40];
	v11 =	vsel vm7, $0x0, v17;
	v55 =	vmpcnt.ones.xlane vm1;
	v9 =	vadd.s32 v13, v9  }
0x5c: {  	v58 =	vld [tilespmem:s31+$0x50];
	vm1 =	vle.f32 v52, v8;
	v57 =	vsel vm8, $0x0, v19;
	v9 =	vadd.s32 v10, v9  }
0x5d: {  	v10 =	vmpcnt.ones.xlane vm1;
	vm1 =	vle.f32 v18, v8;
	v14 =	vsel vm9, $0x0, v53  }
0x5e: {  	v9 =	vadd.s32 v11, v9;
	v11 =	vld [tilespmem:s31+$0x60];
	v12 =	vsel vm10, $0x0, v55;
	v59 =	vmpcnt.ones.xlane vm1  }
0x5f: {  	vm1 =	vle.f32 v54, v8;
	v9 =	vadd.s32 v57, v9;
	v10 =	vsel vm11, $0x0, v10  }
0x60: {  	v16 =	vmpcnt.ones.xlane vm1;
	vm1 =	vle.f32 v56, v8;
	v9 =	vadd.s32 v14, v9  }
0x61: {  	v61 =	vmpcnt.ones.xlane vm1;
	vm1 =	vle.f32 v58, v8;
	v9 =	vadd.s32 v12, v9  }
0x62: {  	v62 =	vmpcnt.ones.xlane vm1;
	v9 =	vadd.s32 v10, v9;
	v10 =	vsel vm12, $0x0, v59  }
0x63: {  	v9 =	vadd.s32 v10, v9;
	v10 =	vsel vm13, $0x0, v16;
	vm1 =	vle.f32 v11, v8  }
0x64: {  	v11 =	vsel vm2, $0x0, v61;
	v9 =	vadd.s32 v10, v9;
	v10 =	vmpcnt.ones.xlane vm1  }
0x65: {  	v60 =	vld [tilespmem:s31+$0x70];
	v9 =	vadd.s32 v11, v9;
	v11 =	vsel vm14, $0x0, v62  }
0x66: {  	v9 =	vadd.s32 v11, v9;
	v10 =	vsel vm15, $0x0, v10  }
0x67: {  	v9 =	vadd.s32 v10, v9;
	v10 =	vld [tilespmem:$0x1FFF0];
	_ =	sdelay $0x2  }
0x68: {  	vm1 =	vle.f32 v60, v8  }
0x69: {  	v63 =	vmpcnt.ones.xlane vm1  }
0x6a: {  	vm1 =	vnez.u8 v10  }
0x6b: {  	v10 =	vsel vm1, $0x0, v63  }
0x6c: {  	v9 =	vadd.s32 v10, v9  }
0x6d: {  	vm1 =	vgt.s32 v9, $0x0  }
0x6e: {  	v9 =	vsel vm1, $0x1, v3  }
0x6f: {  	(xrf0) =	vadd.scan.msk.s32 $0xffff, v9;
	_ =	sdelay $0x3  }
0x70: {  	v10 =	vmpcnt.ones.xlane vm1  }
0x71: {  	s0 =	sor.u32 $0x800, s0;
	v9 =	vimm.s32 $0x0  }
0x72: {  	s1 =	simm.s32 $0x0;
	s30 =	sadd.s32 $0x1, s30;
	s14 =	simm.s32 $0x10;
	v10 =	vadd.s32 v9, v10;
	v11, _, _ =	vpop (xrf0)  }
.LBB2_3:
0x73: {  	v11 =	vadd.s32 v11, v9  }
0x74: {  	v11 =	vadd.s32 $0xFFFFFFFF, v11;
	_ =	sdelay $0x3  }
0x75: {  	v12 =	vor.u32 s1, v1  }
0x76: {  	s31 =	sadd.s32 $0x100, s31;
	[tilespmem:v11+s19+$0x0] =	vst.idx.msk vm1, v12  }
0x77: {  	v12 =	vld [tilespmem:s31+$0xFFFFFFB0]  }
0x78: {  	v13 =	vld [tilespmem:s31+$0xFFFFFFA0]  }
0x79: {  	v14 =	vld [tilespmem:s31+$0xFFFFFF90]  }
0x7a: {  	vm0 =	vmmov vm13;
	v15 =	vld [tilespmem:s31+$0xFFFFFF80]  }
0x7b: {  	vm13 =	vmmov vm11;
	vm11 =	vmmov vm9;
	vm9 =	vmmov vm7;
	v11 =	vld [tilespmem:s31+$0xFFFFFFC0]  }
0x7c: {  	vm7 =	vmmov vm5;
	vm5 =	vmmov vm3;
	vm15 =	vmmov vm14  }
0x7d: {  	vm14 =	vmmov vm12;
	vm12 =	vmmov vm10;
	vm10 =	vmmov vm8  }
0x7e: {  	vm8 =	vmmov vm6;
	vm6 =	vmmov vm4;
	v36 =	vld [tilespmem:$0x1FFE0];
	vm1 =	vle.f32 v13, v8  }
0x7f: {  	vm2 =	vle.f32 v12, v8;
	vm3 =	vle.f32 v14, v8;
	vm4 =	vle.f32 v15, v8  }
0x80: {  	v16 =	vld [tilespmem:s31+$0xFFFFFFE0];
	v13 =	vmpcnt.ones.xlane vm1;
	vm1 =	vle.f32 v11, v8;
	v11 =	vmpcnt.ones.xlane vm3  }
0x81: {  	v17 =	vld [tilespmem:s31+$0xFFFFFFD0];
	vm3 =	vmmov vm5;
	vm5 =	vmmov vm7;
	vm7 =	vmmov vm9  }
0x82: {  	v39 =	vld [tilespmem:s31+$0x10];
	vm9 =	vmmov vm11;
	vm11 =	vmmov vm13;
	vm13 =	vmmov vm0  }
0x83: {  	vm0 =	vnez.u8 v36;
	v37 =	vmpcnt.ones.xlane vm2;
	v18 =	vmpcnt.ones.xlane vm4  }
0x84: {  	v35 =	vld [tilespmem:s31+$0xFFFFFFF0];
	vm4 =	vmmov vm6;
	vm6 =	vmmov vm8;
	vm8 =	vmmov vm10  }
0x85: {  	v44 =	vld [tilespmem:s31+$0x40];
	vm10 =	vmmov vm12;
	vm12 =	vmmov vm14;
	vm14 =	vmmov vm15  }
0x86: {  	v38 =	vld [tilespmem:s31+$0x0];
	vm15 =	vcmask $0x373C;
	vm2 =	vle.f32 v17, v8;
	v19 =	vmpcnt.ones.xlane vm1  }
0x87: {  	vm1 =	vle.f32 v16, v8;
	v20 =	vmpcnt.ones.xlane vm2;
	vm2 =	vle.f32 v39, v8  }
0x88: {  	v46 =	vld [tilespmem:s31+$0x50];
	v13 =	vsel vm4, $0x0, v13;
	v14 =	vsel vm5, $0x0, v37;
	v18 =	vnsel vm0, $0x0, v18  }
0x89: {  	v40 =	vld [tilespmem:s31+$0x20];
	v11 =	vsel vm3, $0x0, v11;
	v21 =	vmpcnt.ones.xlane vm1;
	vm1 =	vle.f32 v35, v8  }
0x8a: {  	v49 =	vmpcnt.ones.xlane vm2;
	vm2 =	vle.f32 v44, v8;
	v19 =	vsel vm6, $0x0, v19  }
0x8b: {  	v11 =	vadd.s32 v18, v11;
	v42 =	vmpcnt.ones.xlane vm1;
	vm1 =	vle.f32 v38, v8  }
0x8c: {  	v41 =	vld [tilespmem:s31+$0x30];
	v43 =	vsel vm7, $0x0, v20;
	v54 =	vmpcnt.ones.xlane vm2;
	v11 =	vadd.s32 v13, v11  }
0x8d: {  	vm2 =	vle.f32 v46, v8;
	v15 =	vmpcnt.ones.xlane vm1;
	v11 =	vadd.s32 v14, v11  }
0x8e: {  	v45 =	vsel vm8, $0x0, v21;
	vm1 =	vle.f32 v40, v8;
	v11 =	vadd.s32 v19, v11  }
0x8f: {  	v47 =	vld [tilespmem:s31+$0x60];
	v51 =	vsel vm11, $0x0, v49;
	v57 =	vmpcnt.ones.xlane vm2;
	v11 =	vadd.s32 v43, v11  }
0x90: {  	v52 =	vld [tilespmem:s31+$0x70];
	v18 =	vsel vm9, $0x0, v42;
	v50 =	vmpcnt.ones.xlane vm1;
	v11 =	vadd.s32 v45, v11  }
0x91: {  	vm1 =	vle.f32 v41, v8;
	v48 =	vsel vm10, $0x0, v15;
	v11 =	vadd.s32 v18, v11  }
0x92: {  	v62 =	vld [tilespmem:$0x1FFF0];
	vm2 =	vcmask $0x2F34;
	v53 =	vmpcnt.ones.xlane vm1;
	v11 =	vadd.s32 v48, v11  }
0x93: {  	v59 =	vsel vm2, $0x0, v54;
	v55 =	vsel vm12, $0x0, v50;
	v11 =	vadd.s32 v51, v11  }
0x94: {  	vm1 =	vle.f32 v47, v8;
	v56 =	vsel vm13, $0x0, v53;
	v11 =	vadd.s32 v55, v11  }
0x95: {  	v58 =	vmpcnt.ones.xlane vm1;
	vm1 =	vle.f32 v52, v8;
	v11 =	vadd.s32 v56, v11  }
0x96: {  	v12 =	vsel vm14, $0x0, v57;
	v60 =	vmpcnt.ones.xlane vm1;
	v11 =	vadd.s32 v59, v11  }
0x97: {  	vm1 =	vnez.u8 v62;
	v61 =	vsel vm15, $0x0, v58;
	v11 =	vadd.s32 v12, v11  }
0x98: {  	v12 =	vsel vm1, $0x0, v60;
	v11 =	vadd.s32 v61, v11  }
0x99: {  	v11 =	vadd.s32 v12, v11  }
0x9a: {  	vm1 =	vgt.s32 v11, $0x0  }
0x9b: {  	v11 =	vsel vm1, $0x1, v3  }
0x9c: {  	(xrf0) =	vadd.scan.msk.s32 $0xffff, v11  }
0x9d: {  	p1 =	sne.s32 s14, $0xF0  }
.Ltmp2:
0x9e: {  	_ = 	snop;
	(pc) =	sbr.rel @p1 .LBB2_3-.Ltmp2, $4  }
0x9f: {  	_ = 	snop  }
0xa0: {  	v63 =	vmpcnt.ones.xlane vm1  }
0xa1: {  	s17 =	smov.u32 s14  }
0xa2: {  	v9 =	vmov v10;
	s14 =	sadd.s32 $0x10, s14;
	s1 =	smov.u32 s17;
	v10 =	vadd.s32 v10, v63;
	v11, _, _ =	vpop (xrf0)  }
0xa3: {  	v10 =	vxor.u32 $0x80000000, v10  }
0xa4: {  	(xrf0) =	vmax.scan.msk.u32 $0xffff, v10;
	_ =	sdelay $0x5  }
0xa5: {  	v10, _, _ =	vpop (xrf0)  }
0xa6: {  	(v2sf) =	vpush v10, $0xF;
	_ =	sdelay $0xe  }
0xa7: {  	s14 =	spop (v2sf)  }
0xa8: {  	v9 =	vadd.s32 v11, v9;
	s14 =	sxor.u32 $0x80000000, s14  }
0xa9: {  	v9 =	vadd.s32 $0xFFFFFFFF, v9;
	p1 =	slt.s32 s14, $0x1  }
.Ltmp3:
0xaa: {  	_ = 	snop;
	(pc) =	sbr.rel @p1 .LBB2_6-.Ltmp3, $3  }
0xab: {  	_ =	sdelay $0x1  }
0xac: {  	v10 =	vor.u32 s1, v1  }
0xad: {  	s1 =	simm.s32 $0x0;
	[tilespmem:v9+s19+$0x0] =	vst.idx.msk vm1, v10;
	v9 =	vimm.s32 $0x0;
	v10 =	vimm.s32 $0x0  }
.LBB2_5:
0xae: {  	v11 =	vmov s1;
	_ =	sdelay $0x4  }
0xaf: {  	v11 =	vld.idx.msk [tilespmem:v11+s19+$0x0], $0xffff;
	_ =	sdelay $0x4  }
0xb0: {  	v11 =	vshll.u32 v11, $0x4  }
0xb1: {  	v11 =	vor.u32 v1, v11;
	_ =	sdelay $0x4  }
0xb2: {  	v12 =	vld.idx.msk [tilespmem:v11+s0+$0x0], $0xffff;
	_ =	sdelay $0x4  }
0xb3: {  	vm1 =	vle.f32 v12, v8  }
0xb4: {  	v13 =	vsel vm1, $0x1, v3  }
0xb5: {  	(xrf0) =	vadd.scan.msk.s32 $0xffff, v13;
	_ =	sdelay $0x5  }
0xb6: {  	v13, _, _ =	vpop (xrf0)  }
0xb7: {  	v13 =	vadd.s32 v13, v10  }
0xb8: {  	s1 =	sadd.s32 $0x1, s1;
	v13 =	vadd.s32 $0xFFFFFFFF, v13  }
0xb9: {  	p1 =	sne.s32 s14, s1  }
.Ltmp4:
0xba: {  	_ = 	snop;
	(pc) =	sbr.rel @p1 .LBB2_5-.Ltmp4, $4  }
0xbb: {  	_ = 	snop  }
0xbc: {  	v14 =	vmpcnt.ones.xlane vm1  }
0xbd: {  	[tilespmem:v13+s20+$0x0] =	vst.idx.msk vm1, v12  }
0xbe: {  	v10 =	vadd.s32 v10, v14;
	[tilespmem:v13+s21+$0x0] =	vst.idx.msk vm1, v11  }
.LBB2_6:
0xbf: {  	v8 =	vxor.u32 $0x80000000, v10  }
0xc0: {  	(xrf0) =	vmax.scan.msk.u32 $0xffff, v8;
	_ =	sdelay $0x5  }
0xc1: {  	v8, _, _ =	vpop (xrf0)  }
0xc2: {  	(v2sf) =	vpush v8, $0xF;
	_ =	sdelay $0xe  }
0xc3: {  	s0 =	spop (v2sf)  }
0xc4: {  	s0 =	sadd.s32 $0x8000000F, s0  }
0xc5: {  	s1 =	sand.u32 $0xF, s0  }
0xc6: {  	s31 =	sshra.s32 s0, $0x1F;
	p2 =	slt.s32 s0, $0x1;
	p1 =	sne.s32 s1, $0x0  }
0xc7: {  	s1 =	sshrl.u32 s31, $0x1C;
	p1 =	por !p2, !p1  }
0xc8: {  	s0 =	sadd.s32 s1, s0;
	s1 =	simm.s32 $0x1;
	p1 =	por !p1, !p1  }
0xc9: {  	s0 =	sshra.s32 s0, $0x4;
	s1 =	simm.s32 @!p1 $0x0  }
0xca: {  	s1 =	ssub.s32 s0, s1  }
0xcb: {  	p1 =	slt.s32 s1, $0x1  }
.Ltmp5:
0xcc: {  	_ = 	snop;
	(pc) =	sbr.rel @p1 .LBB2_14-.Ltmp5, $1  }
0xcd: {  	_ =	sdelay $0x3  }
0xce: {  	p3 =	sne.s32 s1, $0x1  }
.Ltmp6:
0xcf: {  	_ = 	snop;
	(pc) =	sbr.rel @!p3 .LBB2_8-.Ltmp6, $3  }
0xd0: {  	_ =	sdelay $0x1  }
0xd1: {  	s17 =	simm.s32 $0x2800;
	s14 =	simm.s32 $0x3800;
	s0 =	simm.s32 $0x0  }
0xd2: {  	v8 =	vimm.f32 $3.000000010e+38;
	s1 =	sadd.s32 $0xFFFFFFFF, s1;
	p1 =	por $0x0, $0x0;
	p2 =	por $0x0, $0x0;
	v11 =	vld [tilespmem:s17+$0x0]  }
0xd3: {  	v12 =	vld [tilespmem:s14+$0x0];
	_ =	sdelay $0x1  }
0xd4: {  	v13 =	vor.u32 s0, v1  }
0xd5: {  	vm1 =	vlt.s32 v13, v10  }
0xd6: {  	v11 =	vnsel vm1, $0x7F61B1E6, v11  }
0xd7: {  	(xrf1) =	vsort.ascd.msk.f32 $0xffff, v11, v12;
	_ =	sdelay $0x6  }
0xd8: {  	p3 =	sne.s32 s1, $0x1  }
.Ltmp7:
0xd9: {  	_ = 	snop;
	(pc) =	sbr.rel @!p3 .LBB2_10-.Ltmp7, $3  }
0xda: {  	_ =	sdelay $0x1  }
0xdb: {  	s31 =	simm.s32 $0x2810  }
0xdc: {  	s17 =	sadd.s32 $0xFFFFFFFF, s1;
	s14 =	simm.s32 $0x3810;
	p1 =	por $0x1, $0x1;
	v11 =	vld [tilespmem:s31+$0x0]  }
0xdd: {  	v12 =	vld [tilespmem:s14+$0x0]  }
0xde: {  	s1 =	simm.s32 $0x10;
	v13, v14, _ =	vpop (xrf1)  }
0xdf: {  	v15 =	vor.u32 s1, v1;
	v13 =	vperm.xlane v13, v4  }
0xe0: {  	vm1 =	vlt.s32 v15, v10;
	v14 =	vperm.xlane v14, v4  }
0xe1: {  	v11 =	vnsel vm1, $0x7F61B1E6, v11;
	vm1 =	vlt.f32 v13, v8  }
0xe2: {  	(xrf1) =	vsort.ascd.msk.f32 $0xffff, v11, v12;
	v11 =	vsel vm1, v13, v8;
	v63 =	vsel vm1, v14, v9  }
0xe3: {  	(xrf1) =	vsort.ascd.msk.f32 $0xffff, v11, v63;
	_ =	sdelay $0x5  }
0xe4: {  	p3 =	sne.s32 s17, $0x1  }
.Ltmp8:
0xe5: {  	_ = 	snop;
	(pc) =	sbr.rel @!p3 .LBB2_13-.Ltmp8, $3  }
0xe6: {  	_ =	sdelay $0x1  }
0xe7: {  	s31 =	simm.s32 $0x2820  }
0xe8: {  	s17 =	sadd.s32 $0xFFFFFFFF, s17;
	s14 =	simm.s32 $0x3820;
	p2 =	por $0x1, $0x1;
	v11 =	vld [tilespmem:s31+$0x0]  }
.LBB2_12:
0xe9: {  	p3 =	sne.s32 s17, $0x1;
	v12 =	vld [tilespmem:s14+$0x0]  }
0xea: {  	s1 =	sadd.s32 $0x10, s1  }
0xeb: {  	v13 =	vor.u32 s1, v1;
	v14, v15, _ =	vpop (xrf1)  }
0xec: {  	vm1 =	vlt.s32 v13, v10;
	v13 =	vperm.xlane v14, v4  }
0xed: {  	v11 =	vnsel vm1, $0x7F61B1E6, v11;
	v14 =	vperm.xlane v15, v4;
	v15, v16, _ =	vpop (xrf1)  }
0xee: {  	(xrf1) =	vsort.ascd.msk.f32 $0xffff, v11, v12;
	vm1 =	vlt.f32 v13, v15  }
0xef: {  	v11 =	vsel vm1, v13, v15;
	v12 =	vsel vm1, v14, v16  }
0xf0: {  	(xrf1) =	vsort.ascd.msk.f32 $0xffff, v11, v12;
	_ =	sdelay $0x4  }
.Ltmp9:
0xf1: {  	(pc) =	sbr.rel @p3 .LBB2_12-.Ltmp9, $3  }
0xf2: {  	_ =	sdelay $0x1  }
0xf3: {  	s31 =	sadd.s32 $0x10, s31  }
0xf4: {  	s17 =	sadd.s32 $0xFFFFFFFF, s17;
	s14 =	sadd.s32 $0x10, s14;
	v11 =	vld [tilespmem:s31+$0x0]  }
.Ltmp10:
0xf5: {  	_ = 	snop;
	(pc) =	sbr.rel .LBB2_13-.Ltmp10, $1  }
0xf6: {  	_ =	sdelay $0x3  }
.LBB2_10:
.Ltmp11:
0xf7: {  	(pc) =	sbr.rel .LBB2_13-.Ltmp11, $2  }
0xf8: {  	_ =	sdelay $0x2  }
0xf9: {  	s1 =	simm.s32 $0x0  }
.LBB2_15:
0xfa: {  	[tilespmem:s24], [sflag:$0x2] =	stream.indirect.gather [hbm4b:s4+s22], $0x40, s23, s22, $0xb8;
	[tilespmem:$0x19100] =	vst v63  }
0xfb: {  	s30 =	simm.s32 $0x0;
	s29 =	simm.s32 $0x0  }
.LBB2_17:
0xfc: {  	s0 =	smov.u32 s30;
	_ =	swait.ge [sflag:s25], $0x8000  }
0xfd: {  	s30 =	sadd.s32 $0x1, s30;
	p0 =	seq.s32 s0, $0x3;
	[sflag:s25] =	ssyncset.done $0x0  }
0xfe: {  	s0 =	sshll.u32 @!p0 s0, $0xF;
	s1 =	sshll.u32 @!p0 s30, $0x9;
	[sflag:s25] =	ssyncadd.s32 $0xFFFF8000  }
0xff: {  	s17 =	simm.s32 @!p0 $0x200;
	s0 =	sand.u32 @!p0 $0x8000, s0;
	s1 =	sand.u32 @!p0 $0x3FFFFE00, s1  }
0x100: {  	s14 =	sxor.u32 @!p0 $0xD100, s0;
	s1 =	sadd.s32 @!p0 $0x4900, s1;
	s0 =	simm.s32 @p0 $0x8000  }
0x101: {  	[tilespmem:s14], [sflag:$0x2] =	stream.indirect.gather @!p0 [hbm4b:s4+s17], $0x40, s1, s17, $0xb8;
	[tilespmem:$0x19100] =	vst v63  }
0x102: {  	s1 =	sadd.s32 $0x5300, s0  }
0x103: {  	v8 =	vld [tilespmem:s1+$0xFFFFFE00]  }
0x104: {  	v9 =	vld [tilespmem:s1+$0xFFFFFE40]  }
0x105: {  	v10 =	vld [tilespmem:s1+$0xFFFFFE80]  }
0x106: {  	v11 =	vld [tilespmem:s1+$0xFFFFFEC0]  }
0x107: {  	v12 =	vld [tilespmem:s1+$0xFFFFFF00]  }
0x108: {  	v13 =	vld [tilespmem:s1+$0xFFFFFF40]  }
0x109: {  	v8 =	vmax.f32 v8, v9;
	v9 =	vld [tilespmem:s1+$0xFFFFFF80]  }
0x10a: {  	v8 =	vmax.f32 v8, v10;
	v10 =	vld [tilespmem:s1+$0xFFFFFFC0]  }
0x10b: {  	v8 =	vmax.f32 v8, v11;
	v11 =	vld [tilespmem:s1+$0x0]  }
0x10c: {  	v8 =	vmax.f32 v8, v12;
	v12 =	vld [tilespmem:s1+$0x40]  }
0x10d: {  	v8 =	vmax.f32 v8, v13;
	v13 =	vld [tilespmem:s1+$0x80]  }
0x10e: {  	s17 =	sadd.s32 $0x0, s29;
	v8 =	vmax.f32 v8, v9;
	v9 =	vld [tilespmem:s1+$0xC0]  }
0x10f: {  	v14 =	vmov s17;
	v8 =	vmax.f32 v8, v10;
	v10 =	vld [tilespmem:s1+$0x100]  }
0x110: {  	v14 =	vand.u32 $0x7F, v14;
	v8 =	vmax.f32 v8, v11;
	v11 =	vld [tilespmem:s1+$0x140]  }
0x111: {  	v15 =	vld [tilespmem:s1+$0x180];
	v12 =	vmax.f32 v8, v12;
	v8 =	vbroadcast v14, $0x0  }
0x112: {  	v12 =	vmax.f32 v12, v13;
	v13 =	vld [tilespmem:s1+$0x1C0]  }
0x113: {  	v9 =	vmax.f32 v12, v9;
	v12 =	vor.u32 v2, v8  }
0x114: {  	v9 =	vmax.f32 v9, v10  }
0x115: {  	v9 =	vmax.f32 v9, v11  }
0x116: {  	v9 =	vmax.f32 v9, v15  }
0x117: {  	v9 =	vmax.f32 v9, v13  }
0x118: {  	[tilespmem:v12+s26+$0x0] =	vst.idx.msk $0xffff, v9  }
0x119: {  	v9 =	vld [tilespmem:s1+$0xFFFFFE10]  }
0x11a: {  	v10 =	vld [tilespmem:s1+$0xFFFFFE50]  }
0x11b: {  	v11 =	vld [tilespmem:s1+$0xFFFFFE90]  }
0x11c: {  	v12 =	vld [tilespmem:s1+$0xFFFFFED0]  }
0x11d: {  	v13 =	vld [tilespmem:s1+$0xFFFFFF10]  }
0x11e: {  	v14 =	vld [tilespmem:s1+$0xFFFFFF50]  }
0x11f: {  	v9 =	vmax.f32 v9, v10;
	v10 =	vld [tilespmem:s1+$0xFFFFFF90]  }
0x120: {  	v9 =	vmax.f32 v9, v11;
	v11 =	vld [tilespmem:s1+$0xFFFFFFD0]  }
0x121: {  	v9 =	vmax.f32 v9, v12;
	v12 =	vld [tilespmem:s1+$0x10]  }
0x122: {  	v9 =	vmax.f32 v9, v13;
	v13 =	vld [tilespmem:s1+$0x50]  }
0x123: {  	v9 =	vmax.f32 v9, v14;
	v14 =	vld [tilespmem:s1+$0x90]  }
0x124: {  	v9 =	vmax.f32 v9, v10;
	v10 =	vld [tilespmem:s1+$0xD0]  }
0x125: {  	v9 =	vmax.f32 v9, v11;
	v11 =	vld [tilespmem:s1+$0x110]  }
0x126: {  	v9 =	vmax.f32 v9, v12;
	v12 =	vld [tilespmem:s1+$0x150]  }
0x127: {  	v9 =	vmax.f32 v9, v13;
	v13 =	vld [tilespmem:s1+$0x190]  }
0x128: {  	v9 =	vmax.f32 v9, v14;
	v14 =	vld [tilespmem:s1+$0x1D0]  }
0x129: {  	v9 =	vmax.f32 v9, v10;
	v10 =	vor.u32 v5, v8  }
0x12a: {  	v9 =	vmax.f32 v9, v11  }
0x12b: {  	v9 =	vmax.f32 v9, v12  }
0x12c: {  	v9 =	vmax.f32 v9, v13  }
0x12d: {  	v9 =	vmax.f32 v9, v14  }
0x12e: {  	[tilespmem:v10+s26+$0x0] =	vst.idx.msk $0xffff, v9  }
0x12f: {  	v9 =	vld [tilespmem:s1+$0xFFFFFE20]  }
0x130: {  	v10 =	vld [tilespmem:s1+$0xFFFFFE60]  }
0x131: {  	v11 =	vld [tilespmem:s1+$0xFFFFFEA0]  }
0x132: {  	v12 =	vld [tilespmem:s1+$0xFFFFFEE0]  }
0x133: {  	v13 =	vld [tilespmem:s1+$0xFFFFFF20]  }
0x134: {  	v14 =	vld [tilespmem:s1+$0xFFFFFF60]  }
0x135: {  	v9 =	vmax.f32 v9, v10;
	v10 =	vld [tilespmem:s1+$0xFFFFFFA0]  }
0x136: {  	v9 =	vmax.f32 v9, v11;
	v11 =	vld [tilespmem:s1+$0xFFFFFFE0]  }
0x137: {  	v9 =	vmax.f32 v9, v12;
	v12 =	vld [tilespmem:s1+$0x20]  }
0x138: {  	v9 =	vmax.f32 v9, v13;
	v13 =	vld [tilespmem:s1+$0x60]  }
0x139: {  	v9 =	vmax.f32 v9, v14;
	v14 =	vld [tilespmem:s1+$0xA0]  }
0x13a: {  	v9 =	vmax.f32 v9, v10;
	v10 =	vld [tilespmem:s1+$0xE0]  }
0x13b: {  	v9 =	vmax.f32 v9, v11;
	v11 =	vld [tilespmem:s1+$0x120]  }
0x13c: {  	v9 =	vmax.f32 v9, v12;
	v12 =	vld [tilespmem:s1+$0x160]  }
0x13d: {  	v9 =	vmax.f32 v9, v13;
	v13 =	vld [tilespmem:s1+$0x1A0]  }
0x13e: {  	v9 =	vmax.f32 v9, v14;
	v14 =	vld [tilespmem:s1+$0x1E0]  }
0x13f: {  	v9 =	vmax.f32 v9, v10;
	v10 =	vor.u32 v6, v8  }
0x140: {  	v9 =	vmax.f32 v9, v11  }
0x141: {  	v9 =	vmax.f32 v9, v12  }
0x142: {  	v9 =	vmax.f32 v9, v13  }
0x143: {  	v9 =	vmax.f32 v9, v14  }
0x144: {  	[tilespmem:v10+s26+$0x0] =	vst.idx.msk $0xffff, v9  }
0x145: {  	v9 =	vld [tilespmem:s1+$0xFFFFFE70]  }
0x146: {  	v10 =	vld [tilespmem:s1+$0xFFFFFE30]  }
0x147: {  	v11 =	vld [tilespmem:s1+$0xFFFFFEB0]  }
0x148: {  	v12 =	vld [tilespmem:s1+$0xFFFFFEF0]  }
0x149: {  	v13 =	vld [tilespmem:s1+$0xFFFFFF30]  }
0x14a: {  	v14 =	vld [tilespmem:s1+$0xFFFFFF70]  }
0x14b: {  	v9 =	vmax.f32 v10, v9;
	v10 =	vld [tilespmem:s1+$0xFFFFFFB0]  }
0x14c: {  	v15 =	vld [tilespmem:s1+$0xFFFFFFF0];
	v9 =	vmax.f32 v9, v11  }
0x14d: {  	v9 =	vmax.f32 v9, v12;
	v12 =	vld [tilespmem:s1+$0x30]  }
0x14e: {  	v11 =	vld [tilespmem:s1+$0xB0];
	v9 =	vmax.f32 v9, v13  }
0x14f: {  	v13 =	vld [tilespmem:s1+$0x70];
	v9 =	vmax.f32 v9, v14  }
0x150: {  	v10 =	vmax.f32 v9, v10;
	v9 =	vld [tilespmem:s1+$0xF0]  }
0x151: {  	v14 =	vmax.f32 v10, v15;
	v10 =	vld [tilespmem:s1+$0x130]  }
0x152: {  	s0 =	simm.s32 $0x1;
	s31 =	smov.u32 s1;
	v14 =	vmax.f32 v14, v12;
	v12 =	vld [tilespmem:s1+$0x170]  }
.LBB2_18:
0x153: {  	p0 =	seq.s32 s0, $0x1F  }
0x154: {  	v13 =	vmax.f32 v14, v13;
	v14 =	vld [tilespmem:s1+$0x1B0];
	s31 =	sadd.s32 $0x400, s31;
	s14 =	smov.u32 s0;
	s0 =	sadd.s32 $0x1, s0  }
0x155: {  	v11 =	vmax.f32 v13, v11;
	v13 =	vld [tilespmem:s1+$0x1F0];
	s1 =	smov.u32 s31  }
0x156: {  	v8 =	vor.u32 v7, v8;
	v9 =	vmax.f32 v11, v9  }
0x157: {  	v9 =	vmax.f32 v9, v10  }
0x158: {  	v9 =	vmax.f32 v9, v12  }
0x159: {  	v9 =	vmax.f32 v9, v14  }
0x15a: {  	v9 =	vmax.f32 v9, v13  }
0x15b: {  	[tilespmem:v8+s26+$0x0] =	vst.idx.msk $0xffff, v9  }
0x15c: {  	v8 =	vld [tilespmem:s31+$0xFFFFFE00]  }
0x15d: {  	v9 =	vld [tilespmem:s31+$0xFFFFFE40]  }
0x15e: {  	v10 =	vld [tilespmem:s31+$0xFFFFFE80]  }
0x15f: {  	v11 =	vld [tilespmem:s31+$0xFFFFFEC0]  }
0x160: {  	v12 =	vld [tilespmem:s31+$0xFFFFFF00]  }
0x161: {  	v13 =	vld [tilespmem:s31+$0xFFFFFF40]  }
0x162: {  	v8 =	vmax.f32 v8, v9;
	v9 =	vld [tilespmem:s31+$0xFFFFFF80]  }
0x163: {  	v8 =	vmax.f32 v8, v10;
	v10 =	vld [tilespmem:s31+$0xFFFFFFC0]  }
0x164: {  	v8 =	vmax.f32 v8, v11;
	v11 =	vld [tilespmem:s31+$0x0]  }
0x165: {  	v8 =	vmax.f32 v8, v12;
	v12 =	vld [tilespmem:s31+$0x40]  }
0x166: {  	v8 =	vmax.f32 v8, v13;
	v13 =	vld [tilespmem:s31+$0x80]  }
0x167: {  	s14 =	sadd.s32 s14, s29;
	v8 =	vmax.f32 v8, v9;
	v9 =	vld [tilespmem:s31+$0xC0]  }
0x168: {  	v14 =	vmov s14;
	v8 =	vmax.f32 v8, v10;
	v10 =	vld [tilespmem:s31+$0x100]  }
0x169: {  	v14 =	vand.u32 $0x7F, v14;
	v8 =	vmax.f32 v8, v11;
	v11 =	vld [tilespmem:s31+$0x140]  }
0x16a: {  	v12 =	vmax.f32 v8, v12;
	v15 =	vld [tilespmem:s31+$0x180];
	v8 =	vbroadcast v14, $0x0  }
0x16b: {  	v12 =	vmax.f32 v12, v13;
	v13 =	vld [tilespmem:s31+$0x1C0]  }
0x16c: {  	v9 =	vmax.f32 v12, v9;
	v12 =	vor.u32 v2, v8  }
0x16d: {  	v9 =	vmax.f32 v9, v10  }
0x16e: {  	v9 =	vmax.f32 v9, v11  }
0x16f: {  	v9 =	vmax.f32 v9, v15  }
0x170: {  	v9 =	vmax.f32 v9, v13  }
0x171: {  	[tilespmem:v12+s26+$0x0] =	vst.idx.msk $0xffff, v9  }
0x172: {  	v9 =	vld [tilespmem:s31+$0xFFFFFE10]  }
0x173: {  	v10 =	vld [tilespmem:s31+$0xFFFFFE50]  }
0x174: {  	v11 =	vld [tilespmem:s31+$0xFFFFFE90]  }
0x175: {  	v12 =	vld [tilespmem:s31+$0xFFFFFED0]  }
0x176: {  	v13 =	vld [tilespmem:s31+$0xFFFFFF10]  }
0x177: {  	v14 =	vld [tilespmem:s31+$0xFFFFFF50]  }
0x178: {  	v9 =	vmax.f32 v9, v10;
	v10 =	vld [tilespmem:s31+$0xFFFFFF90]  }
0x179: {  	v9 =	vmax.f32 v9, v11;
	v11 =	vld [tilespmem:s31+$0xFFFFFFD0]  }
0x17a: {  	v9 =	vmax.f32 v9, v12;
	v12 =	vld [tilespmem:s31+$0x10]  }
0x17b: {  	v9 =	vmax.f32 v9, v13;
	v13 =	vld [tilespmem:s31+$0x50]  }
0x17c: {  	v9 =	vmax.f32 v9, v14;
	v14 =	vld [tilespmem:s31+$0x90]  }
0x17d: {  	v9 =	vmax.f32 v9, v10;
	v10 =	vld [tilespmem:s31+$0xD0]  }
0x17e: {  	v9 =	vmax.f32 v9, v11;
	v11 =	vld [tilespmem:s31+$0x110]  }
0x17f: {  	v9 =	vmax.f32 v9, v12;
	v12 =	vld [tilespmem:s31+$0x150]  }
0x180: {  	v9 =	vmax.f32 v9, v13;
	v13 =	vld [tilespmem:s31+$0x190]  }
0x181: {  	v9 =	vmax.f32 v9, v14;
	v14 =	vld [tilespmem:s31+$0x1D0]  }
0x182: {  	v9 =	vmax.f32 v9, v10;
	v10 =	vor.u32 v5, v8  }
0x183: {  	v9 =	vmax.f32 v9, v11  }
0x184: {  	v9 =	vmax.f32 v9, v12  }
0x185: {  	v9 =	vmax.f32 v9, v13  }
0x186: {  	v9 =	vmax.f32 v9, v14  }
0x187: {  	[tilespmem:v10+s26+$0x0] =	vst.idx.msk $0xffff, v9  }
0x188: {  	v9 =	vld [tilespmem:s31+$0xFFFFFE20]  }
0x189: {  	v10 =	vld [tilespmem:s31+$0xFFFFFE60]  }
0x18a: {  	v11 =	vld [tilespmem:s31+$0xFFFFFEA0]  }
0x18b: {  	v12 =	vld [tilespmem:s31+$0xFFFFFEE0]  }
0x18c: {  	v13 =	vld [tilespmem:s31+$0xFFFFFF20]  }
0x18d: {  	v14 =	vld [tilespmem:s31+$0xFFFFFF60]  }
0x18e: {  	v9 =	vmax.f32 v9, v10;
	v10 =	vld [tilespmem:s31+$0xFFFFFFA0]  }
0x18f: {  	v9 =	vmax.f32 v9, v11;
	v11 =	vld [tilespmem:s31+$0xFFFFFFE0]  }
0x190: {  	v9 =	vmax.f32 v9, v12;
	v12 =	vld [tilespmem:s31+$0x20]  }
0x191: {  	v9 =	vmax.f32 v9, v13;
	v13 =	vld [tilespmem:s31+$0x60]  }
0x192: {  	v9 =	vmax.f32 v9, v14;
	v14 =	vld [tilespmem:s31+$0xA0]  }
0x193: {  	v9 =	vmax.f32 v9, v10;
	v10 =	vld [tilespmem:s31+$0xE0]  }
0x194: {  	v9 =	vmax.f32 v9, v11;
	v11 =	vld [tilespmem:s31+$0x120]  }
0x195: {  	v9 =	vmax.f32 v9, v12;
	v12 =	vld [tilespmem:s31+$0x160]  }
0x196: {  	v9 =	vmax.f32 v9, v13;
	v13 =	vld [tilespmem:s31+$0x1A0]  }
0x197: {  	v9 =	vmax.f32 v9, v14;
	v14 =	vld [tilespmem:s31+$0x1E0]  }
0x198: {  	v9 =	vmax.f32 v9, v10;
	v10 =	vor.u32 v6, v8  }
0x199: {  	v9 =	vmax.f32 v9, v11  }
0x19a: {  	v9 =	vmax.f32 v9, v12  }
0x19b: {  	v9 =	vmax.f32 v9, v13  }
0x19c: {  	v9 =	vmax.f32 v9, v14  }
0x19d: {  	[tilespmem:v10+s26+$0x0] =	vst.idx.msk $0xffff, v9  }
0x19e: {  	v9 =	vld [tilespmem:s31+$0xFFFFFE70]  }
0x19f: {  	v10 =	vld [tilespmem:s31+$0xFFFFFE30]  }
0x1a0: {  	v11 =	vld [tilespmem:s31+$0xFFFFFEB0]  }
0x1a1: {  	v12 =	vld [tilespmem:s31+$0xFFFFFEF0]  }
0x1a2: {  	v13 =	vld [tilespmem:s31+$0xFFFFFF30]  }
0x1a3: {  	v14 =	vld [tilespmem:s31+$0xFFFFFF70]  }
0x1a4: {  	v9 =	vmax.f32 v10, v9;
	v10 =	vld [tilespmem:s31+$0xFFFFFFB0]  }
0x1a5: {  	v9 =	vmax.f32 v9, v11;
	v15 =	vld [tilespmem:s31+$0xFFFFFFF0]  }
0x1a6: {  	v9 =	vmax.f32 v9, v12;
	v12 =	vld [tilespmem:s31+$0x30]  }
.Ltmp12:
0x1a7: {  	v9 =	vmax.f32 v9, v13;
	v13 =	vld [tilespmem:s31+$0x70];
	(pc) =	sbr.rel @!p0 .LBB2_18-.Ltmp12, $4  }
0x1a8: {  	v9 =	vmax.f32 v9, v14;
	v11 =	vld [tilespmem:s31+$0xB0]  }
0x1a9: {  	v10 =	vmax.f32 v9, v10;
	v9 =	vld [tilespmem:s31+$0xF0]  }
0x1aa: {  	v14 =	vmax.f32 v10, v15;
	v10 =	vld [tilespmem:s31+$0x130]  }
0x1ab: {  	v14 =	vmax.f32 v14, v12;
	v12 =	vld [tilespmem:s31+$0x170]  }
0x1ac: {  	v13 =	vmax.f32 v14, v13;
	v62 =	vld [tilespmem:s1+$0x1B0]  }
0x1ad: {  	v63 =	vld [tilespmem:s1+$0x1F0];
	v11 =	vmax.f32 v13, v11  }
0x1ae: {  	v8 =	vor.u32 v7, v8;
	v9 =	vmax.f32 v11, v9  }
0x1af: {  	v9 =	vmax.f32 v9, v10  }
0x1b0: {  	v9 =	vmax.f32 v9, v12  }
0x1b1: {  	v9 =	vmax.f32 v9, v62  }
0x1b2: {  	v9 =	vmax.f32 v9, v63  }
0x1b3: {  	[tilespmem:v8+s26+$0x0] =	vst.idx.msk $0xffff, v9  }
0x1b4: {  	p0 =	seq.s32 s30, $0x4  }
.Ltmp13:
0x1b5: {  	_ = 	snop;
	(pc) =	sbr.rel @!p0 .LBB2_17-.Ltmp13, $2  }
0x1b6: {  	_ =	sdelay $0x2  }
0x1b7: {  	s29 =	sadd.s32 $0x20, s29  }
0x1b8: {  	s28 =	sadd.s32 $0x1, s28  }
0x1b9: {  	p0 =	sne.s32 s28, s11  }
.Ltmp14:
0x1ba: {  	_ = 	snop;
	(pc) =	sbr.rel @p0 .LBB2_1-.Ltmp14, $4  }
0x1bb: {  	[hbm4b:s10+s13] =	stream.strided.scatter [tilespmem:s26], [sflag:$0x3], $0x2000, s16, s13, $0x38;
	[tilespmem:$0x19100] =	vst v63  }
0x1bc: {  	_ =	swait.ge [sflag:s12], $0x2000  }
0x1bd: {  	[sflag:s12] =	ssyncset.done $0x0  }
0x1be: {  	[sflag:s12] =	ssyncadd.s32 $0xFFFFE000  }
0x1bf: {  	_ =	sfence.sel $0x180000  }
0x1c0: {  	[bflag:$0x0] =	sbarrier.arrive $0xFFFF  }
0x1c1: {  	_ =	strace $0x9000004A  }
0x1c2: {  	s0 =	stileid.u32;
	[bflag:$0x2] =	sbarrier.arrive $0xFFFF  }
0x1c3: {  	p0 =	sne.s32 s0, $0x0;
	s0 =	rddreg [dreg:$0x2]  }
0x1c4: {  	s0 =	sadd.s32 @!p0 $0x100000, s0  }
0x1c5: {  	[sflag:s0] =	ssyncadd.tile.s32 @!p0 $0x1;
	_ =	shalt  }
.Lfunc_end2:
_tile_overlayer_lowered:
.L_overlay_start_2:
0x1c6: {  	(tag) =	ssettag $0x2  }
0x1c7: {  	s0 =	rddreg [dreg:$0x0];
	s2 =	stileid.u32  }
0x1c8: {  	s1 =	rddreg [dreg:$0x1];
	p0 =	sne.s32 s2, $0x0  }
0x1c9: {  	s3 =	rddreg [dreg:$0x2];
	[bflag:$0x3] =	sbarrier.arrive $0xFFFF;
	s2 =	simm.s32 @!p0 $0x1C03  }
0x1ca: {  	[timem:s3], [sflag:s2] =	dma.local @!p0 [hbm:s0], s1  }
0x1cb: {  	s0 =	simm.s32 @!p0 $0x3  }
0x1cc: {  	_ =	swait.ge @!p0 [sflag:s0], s1  }
0x1cd: {  	s1 =	ssub.s32 @!p0 $0x0, s1;
	[sflag:s0] =	ssyncset.done @!p0 $0x0  }
0x1ce: {  	[sflag:s0] =	ssyncadd.s32 @!p0 s1  }
0x1cf: {  	[bflag:$0x3] =	sbarrier.arrive $0xFFFF  }
0x1d0: {  	_ =	shalt  }

// kernel: sparse-core-data-format-call.cloned.1.call-start
scs
called_computation_lowered:
.L_overlay_start_0:
0x0: {  	s1 =	sld [smem:$0x3FD9]  }
0x1: {  	s2 =	sld [smem:$0x3FFE];
	_ =	sdelay $0x1  }
0x2: {  	s3 =	srdreg.scid  }
0x3: {  	s0 =	sand.u32 $0x1, s3  }
0x4: {  	s17 =	sshll.u32 s0, $0xA;
	s1 =	sadd.s32 s2, s1  }
0x5: {  	s1 =	sadd.s32 s1, s17  }
0x6: {  	[smem:$0x3FC6] =	sst s1  }
0x7: {  	_ = 	snop  }
0x8: {  	(tm) =	ssettm $0x1  }
0x9: {  	s18 =	sld [smem:$0x3FFB];
	_ =	sdelay $0x3  }
0xa: {  	_ =	strace s18  }
0xb: {  	s1 =	sld [smem:$0x3FFC];
	_ =	sdelay $0x3  }
0xc: {  	_ =	strace s1  }
0xd: {  	s1 =	sld [smem:$0x3FFD];
	_ =	sdelay $0x3  }
0xe: {  	_ =	strace s1  }
0xf: {  	_ =	strace $0x8FFFFFFF  }
0x10: {  	s19 =	sld [smem:$0x3FDB];
	_ =	sdelay $0x1  }
0x11: {  	s20 =	simm.s32 $_scs_section_size  }
0x12: {  	s4 =	simm.s32 $_size__tile_overlayer_lowered;
	s5 =	simm.s32 $_tile_overlayer_lowered  }
0x13: {  	s23 =	simm.s32 $0x1BFF;
	s22 =	sshll.u32 s5, $0x1;
	s1 =	sadd.s32 s20, s19  }
0x14: {  	s6 =	simm.s32 $0x0;
	s21 =	sshll.u32 s4, $0x1;
	s4 =	sadd.s32 s22, s1  }
0x15: {  	[timem:s6], [sflag:s23] =	dma.local [hbm:s4], s21  }
0x16: {  	_ =	swait.ge [sflag:s23], s21  }
0x17: {  	s2 =	ssub.s32 $0x0, s21;
	[sflag:s23] =	ssyncset.done $0x0  }
0x18: {  	[sflag:s23] =	ssyncadd.s32 s2;
	_ =	sdelay $0x1  }
0x19: {  	s24 =	simm.s32 $0x1B8B  }
0x1a: {  	_ =	swait.ge [sflag:s24], $0x1  }
0x1b: {  	[sflag:s24] =	ssyncset.done $0x0  }
0x1c: {  	s26 =	simm.s32 $0x1B8E;
	s25 =	sld [smem:$0x3FFE];
	[sflag:s24] =	ssyncadd.s32 $0xFFFFFFFF  }
0x1d: {  	s27 =	simm.s32 $execute0_lowered;
	[smem:$0x3FD2] =	sst s26  }
0x1e: {  	s4 =	sshll.u32 s27, $0x1;
	_ =	strace $0x80000046;
	[dreg:$0x1] =	wrdreg $0xFFFFFFFF  }
0x1f: {  	s28 =	simm.s32 $_size_execute0_lowered;
	s1 =	sadd.s32 s1, s4;
	[dreg:$0x0] =	wrdreg $0x0  }
0x20: {  	s4 =	sshll.u32 s28, $0x1;
	[dreg:$0x2] =	wrdreg s1  }
0x21: {  	[dreg:$0x3] =	wrdreg s4  }
0x22: {  	[dreg:$0x4] =	wrdreg $0xC0  }
0x23: {  	_ =	task [dreg:s6], $0x5FFFF  }
0x24: {  	[dreg:$0x1] =	wrdreg $0xFFFFFFFF  }
0x25: {  	[dreg:$0x0] =	wrdreg $0x60  }
0x26: {  	[dreg:$0x2] =	wrdreg s25  }
0x27: {  	[dreg:$0x3] =	wrdreg $0x9  }
0x28: {  	_ =	task.clear_ibuf [dreg:s6], $0x4FFFF;
	_ =	strace $0x90000046  }
0x29: {  	s29 =	simm.s32 $0x9;
	_ =	strace $0x80000048  }
0x2a: {  	_ =	swait.ge [sflag:s29], $0x1  }
0x2b: {  	[sflag:s29] =	ssyncadd.s32 $0xFFFFFFFF  }
0x2c: {  	_ =	strace $0x90000048  }
0x2d: {  	_ =	sfence  }
0x2e: {  	s30 =	sld [smem:$0x0];
	_ =	sdelay $0x2  }
0x2f: {  	s31 =	sshll.u32 s3, $0xD;
	s3 =	sshrl.u32 s3, $0x2  }
0x30: {  	s2 =	sand.u32 $0x4000, s31;
	s1 =	sadd.s32 s3, s30  }
0x31: {  	s0 =	sor.u32 s2, s0;
	s1 =	sshll.u32 s1, $0x11  }
0x32: {  	s0 =	sor.u32 s1, s0  }
0x33: {  	s0 =	sadd.s32 $0x8F2B, s0  }
0x34: {  	[sflag:s0] =	ssyncadd.remote.s32 $0x1  }
0x35: {  	_ =	sfence.sel $0xFFFF  }
0x36: {  	[dreg:$0x0] =	wrdreg $0xFFFFFFFF;
	(pc) =	sbr.abs _section_cstart, $3  }
0x37: {  	[dreg:$0x1] =	wrdreg $0xFFFFFFFF  }
0x38: {  	_ =	task.clear_ibuf [dreg:s6], $0x2FFFF;
	_ =	strace $0x9FFFFFFF  }
0x39: {  	(tm) =	ssettm $0x7FFFFFFF  }
tec
execute0_lowered:
.L_overlay_start_1:
0x0: {  	(tag) =	ssettag $0x1  }
0x1: {  	s1 =	rddreg [dreg:$0x0]  }
0x2: {  	s0 =	rddreg [dreg:$0x1]  }
0x3: {  	_ =	strace $0x80000047;
	s4 =	srdreg.scid;
	s6 =	simm.s32 $0x2  }
0x4: {  	s11 =	simm.s32 $0x0;
	p0 =	por $0x0, $0x0;
	s7 =	simm.s32 $0x1000  }
.Ltmp0:
0x5: {  	s12 =	simm.s32 $0x0;
	s9 =	simm.s32 $0x0;
	(pc) =	sbr.rel .LBB1_1-.Ltmp0, $4  }
0x6: {  	s2 =	sadd.s32 $0xE00, s1;
	s3 =	sadd.s32 $0x200E00, s1;
	s5 =	sshll.u32 s4, $0x4  }
0x7: {  	s1 =	stileid.u32;
	s4 =	simm.s32 $0x1;
	s5 =	sand.u32 $0x10, s5  }
0x8: {  	s8 =	simm.s32 $0x0;
	[sflag:s4] =	ssyncpa.u1 $0x0;
	s5 =	sor.u32 s1, s5  }
0x9: {  	[sflag:s6] =	ssyncpa.u1 $0x0;
	s6 =	simm.s32 $0x800;
	s10 =	smov.u32 s5  }
.LBB1_7:
0xa: {  	s13 =	sadd.s32 $0x10, s9  }
0xb: {  	s11 =	sadd.s32 $0x20, s10;
	s15 =	smov.u32 s10;
	p2 =	sgt.s32 s13, $0x1F  }
0xc: {  	p1 =	slt.u32 s8, $0x2;
	s15 =	smov.u32 @p2 s11  }
0xd: {  	s8 =	sadd.s32 $0x1, s8;
	s13 =	simm.s32 @p2 $0x0;
	p2 =	sgt.s32 s15, $0x1FF  }
0xe: {  	s15 =	smov.u32 @p2 s5;
	p2 =	sne.s32 s8, $0x22  }
.Ltmp1:
0xf: {  	_ = 	snop;
	(pc) =	sbr.rel @!p2 .LBB1_8-.Ltmp1, $4  }
0x10: {  	s14 =	simm.s32 @!p1 $0x2  }
0x11: {  	s12 =	smov.u32 s10;
	_ =	swait.ge @!p1 [sflag:s14], $0x4000  }
0x12: {  	p0 =	por !p0, !p0;
	s11 =	smov.u32 s9;
	[sflag:s14] =	ssyncset.done @!p1 $0x0  }
0x13: {  	s9 =	smov.u32 s13;
	[sflag:s14] =	ssyncadd.s32 @!p1 $0xFFFFC000;
	s10 =	smov.u32 s15  }
.LBB1_1:
0x14: {  	p1 =	sgt.u32 s8, $0x1F  }
0x15: {  	s13 =	sxor.u32 @!p1 $0xFFFFFFFF, s8;
	s14 =	sshll.u32 @!p1 s10, $0xC  }
0x16: {  	s15 =	sshll.u32 @!p1 s9, $0x7;
	s13 =	sshll.u32 @!p1 s13, $0xE;
	s14 =	sadd.s32 @!p1 s2, s14  }
0x17: {  	s13 =	sand.u32 @!p1 $0x4000, s13;
	s14 =	sadd.s32 @!p1 s15, s14;
	s15 =	simm.s32 @!p1 $0x0  }
0x18: {  	[tilespmem:s13], [sflag:$0x1] =	stream.linear.gather @!p1 [hbm4b:s14+s15], $0x4000, $0x38;
	[tilespmem:$0x10000] =	vst v63  }
0x19: {  	p1 =	seq.s32 s8, $0x0  }
0x1a: {  	p2 =	seq.s32 @!p1 s8, $0x21  }
0x1b: {  	p1 =	por p1, p2  }
.Ltmp2:
0x1c: {  	_ = 	snop;
	(pc) =	sbr.rel @p1 .LBB1_7-.Ltmp2, $1  }
0x1d: {  	_ =	sdelay $0x3  }
0x1e: {  	s13 =	simm.s32 $0x1;
	_ =	swait.ge [sflag:s4], $0x4000;
	s16 =	sshll.u32 s8, $0xE  }
0x1f: {  	s13 =	simm.s32 @!p0 $0x0;
	[sflag:s4] =	ssyncset.done $0x0;
	s31 =	sand.u32 $0x4000, s16  }
0x20: {  	s16 =	simm.s32 $0x0;
	s14 =	sshll.u32 s13, $0xE;
	[sflag:s4] =	ssyncadd.s32 $0xFFFFC000  }
0x21: {  	s13 =	sor.u32 $0x8040, s14;
	s15 =	sor.u32 $0x40, s14;
	s14 =	sor.u32 $0x8000, s31  }
.LBB1_3:
0x22: {  	v0 =	vmov s15;
	_ =	sdelay $0x3  }
0x23: {  	s18 =	simm.s32 $0x0  }
0x24: {  	v6 =	vld.idx.msk [tilespmem:v0+s18+$0x30 ss:$0x1], $0xffff  }
0x25: {  	v7 =	vld.idx.msk [tilespmem:v0+s18+$0xFFFFFFC0 ss:$0x1], $0xffff  }
0x26: {  	v5 =	vld.idx.msk [tilespmem:v0+s18+$0xFFFFFFD0 ss:$0x1], $0xffff  }
0x27: {  	v4 =	vld.idx.msk [tilespmem:v0+s18+$0xFFFFFFE0 ss:$0x1], $0xffff  }
0x28: {  	v3 =	vld.idx.msk [tilespmem:v0+s18+$0xFFFFFFF0 ss:$0x1], $0xffff  }
0x29: {  	v1 =	vld.idx.msk [tilespmem:v0+s18+$0x0 ss:$0x1], $0xffff  }
0x2a: {  	v2 =	vld.idx.msk [tilespmem:v0+s18+$0x10 ss:$0x1], $0xffff;
	[tilespmem:s13+$0x30] =	vst v6  }
0x2b: {  	s17 =	simm.s32 $0x80;
	s19 =	simm.s32 $0x400;
	[tilespmem:s13+$0xFFFFFFC0] =	vst v7;
	v6 =	vld.idx.msk [tilespmem:v0+s18+$0x20 ss:$0x1], $0xffff;
	s18 =	smov.u32 s13  }
.LBB1_4:
0x2c: {  	p1 =	sne.s32 s19, $0xE00;
	v7 =	vld.idx.msk [tilespmem:v0+s17+$0x30 ss:$0x1], $0xffff;
	[tilespmem:s18+$0xFFFFFFD0] =	vst v5  }
0x2d: {  	v8 =	vld.idx.msk [tilespmem:v0+s17+$0xFFFFFFC0 ss:$0x1], $0xffff;
	[tilespmem:s18+$0xFFFFFFE0] =	vst v4  }
0x2e: {  	v5 =	vld.idx.msk [tilespmem:v0+s17+$0xFFFFFFD0 ss:$0x1], $0xffff;
	[tilespmem:s18+$0xFFFFFFF0] =	vst v3  }
.Ltmp3:
0x2f: {  	v4 =	vld.idx.msk [tilespmem:v0+s17+$0xFFFFFFE0 ss:$0x1], $0xffff;
	[tilespmem:s18+$0x0] =	vst v1;
	(pc) =	sbr.rel @p1 .LBB1_4-.Ltmp3, $4  }
0x30: {  	v3 =	vld.idx.msk [tilespmem:v0+s17+$0xFFFFFFF0 ss:$0x1], $0xffff;
	[tilespmem:s18+$0x10] =	vst v2  }
0x31: {  	v1 =	vld.idx.msk [tilespmem:v0+s17+$0x0 ss:$0x1], $0xffff;
	[tilespmem:s18+$0x20] =	vst v6;
	s18 =	sadd.s32 $0x800, s18  }
0x32: {  	v2 =	vld.idx.msk [tilespmem:v0+s17+$0x10 ss:$0x1], $0xffff;
	[tilespmem:s18+$0x30] =	vst v7  }
0x33: {  	[tilespmem:s18+$0xFFFFFFC0] =	vst v8;
	v6 =	vld.idx.msk [tilespmem:v0+s17+$0x20 ss:$0x1], $0xffff;
	s17 =	sshra.s32 s19, $0x2;
	s19 =	sadd.s32 $0x200, s19  }
0x34: {  	_ =	sdelay $0x2  }
0x35: {  	[tilespmem:s18+$0xFFFFFFD0] =	vst v5  }
0x36: {  	v56 =	vld.idx.msk [tilespmem:v0+s17+$0x30 ss:$0x1], $0xffff;
	[tilespmem:s18+$0xFFFFFFE0] =	vst v4  }
0x37: {  	v57 =	vld.idx.msk [tilespmem:v0+s17+$0xFFFFFFC0 ss:$0x1], $0xffff;
	[tilespmem:s18+$0xFFFFFFF0] =	vst v3  }
0x38: {  	v58 =	vld.idx.msk [tilespmem:v0+s17+$0xFFFFFFD0 ss:$0x1], $0xffff;
	[tilespmem:s18+$0x0] =	vst v1  }
0x39: {  	v59 =	vld.idx.msk [tilespmem:v0+s17+$0xFFFFFFE0 ss:$0x1], $0xffff;
	[tilespmem:s18+$0x10] =	vst v2  }
0x3a: {  	v60 =	vld.idx.msk [tilespmem:v0+s17+$0xFFFFFFF0 ss:$0x1], $0xffff;
	s31 =	sadd.s32 $0x800, s18;
	[tilespmem:s18+$0x20] =	vst v6  }
0x3b: {  	v61 =	vld.idx.msk [tilespmem:v0+s17+$0x0 ss:$0x1], $0xffff;
	[tilespmem:s31+$0x30] =	vst v56  }
0x3c: {  	v62 =	vld.idx.msk [tilespmem:v0+s17+$0x10 ss:$0x1], $0xffff;
	s16 =	sadd.s32 $0x1, s16;
	[tilespmem:s31+$0xFFFFFFC0] =	vst v57  }
0x3d: {  	v63 =	vld.idx.msk [tilespmem:v0+s17+$0x20 ss:$0x1], $0xffff;
	p1 =	sne.s32 s16, $0x10;
	[tilespmem:s31+$0xFFFFFFD0] =	vst v58  }
.Ltmp4:
0x3e: {  	[tilespmem:s31+$0xFFFFFFE0] =	vst v59;
	(pc) =	sbr.rel @p1 .LBB1_3-.Ltmp4, $4  }
0x3f: {  	[tilespmem:s31+$0xFFFFFFF0] =	vst v60  }
0x40: {  	[tilespmem:s31+$0x0] =	vst v61  }
0x41: {  	[tilespmem:s31+$0x10] =	vst v62  }
0x42: {  	s13 =	sadd.s32 $0x80, s13;
	s15 =	sadd.s32 $0x400, s15;
	[tilespmem:s31+$0x20] =	vst v63  }
.Ltmp5:
0x43: {  	(pc) =	sbr.rel .LBB1_7-.Ltmp5, $4  }
0x44: {  	s12 =	sshll.u32 s12, $0xC;
	s11 =	sshll.u32 s11, $0x4  }
0x45: {  	s11 =	sand.u32 $0x1F0, s11;
	s12 =	sadd.s32 s3, s12  }
0x46: {  	s11 =	sadd.s32 s11, s12  }
0x47: {  	[hbm4b:s11+s6] =	stream.strided.scatter [tilespmem:s14], [sflag:$0x2], $0x4000, s7, s6, $0x38;
	[tilespmem:$0x10000] =	vst v63  }
.LBB1_8:
0x48: {  	_ =	sfence.sel $0x180000  }
0x49: {  	s2 =	simm.s32 $0x1;
	[bflag:$0x0] =	sbarrier.arrive $0xFFFF  }
0x4a: {  	s31 =	simm.s32 $0x2;
	[sflag:s2] =	ssyncpa.u1 $0x1  }
0x4b: {  	[sflag:s31] =	ssyncpa.u1 $0x1  }
0x4c: {  	p0 =	sne.s32 s1, $0x0;
	_ =	strace $0x90000047  }
0x4d: {  	s0 =	sadd.s32 @!p0 $0x100000, s0;
	[bflag:$0x2] =	sbarrier.arrive $0xFFFF  }
0x4e: {  	[sflag:s0] =	ssyncadd.tile.s32 @!p0 $0x1;
	_ =	shalt  }
.Lfunc_end1:
_tile_overlayer_lowered:
.L_overlay_start_2:
0x4f: {  	(tag) =	ssettag $0x2  }
0x50: {  	s0 =	rddreg [dreg:$0x0];
	s2 =	stileid.u32  }
0x51: {  	s1 =	rddreg [dreg:$0x1];
	p0 =	sne.s32 s2, $0x0  }
0x52: {  	s3 =	rddreg [dreg:$0x2];
	[bflag:$0x3] =	sbarrier.arrive $0xFFFF;
	s2 =	simm.s32 @!p0 $0x1C01  }
0x53: {  	[timem:s3], [sflag:s2] =	dma.local @!p0 [hbm:s0], s1  }
0x54: {  	s0 =	simm.s32 @!p0 $0x1  }
0x55: {  	_ =	swait.ge @!p0 [sflag:s0], s1  }
0x56: {  	s1 =	ssub.s32 @!p0 $0x0, s1;
	[sflag:s0] =	ssyncset.done @!p0 $0x0  }
0x57: {  	[sflag:s0] =	ssyncadd.s32 @!p0 s1  }
0x58: {  	[bflag:$0x3] =	sbarrier.arrive $0xFFFF  }
0x59: {  	_ =	shalt  }

</sc_bundles>
